<compile_context>
chip_gen: v7x
topology: tpu7x:2x2x1
jax: 0.10.2.dev20260603
libtpu: 0.0.44.dev20260713+nightly
codegen_flags: <defaults>
</compile_context>

<pallas_src>
import dataclasses
import functools

import jax
import jax.numpy as jnp
from jax import lax
from jax.experimental import pallas as pl
from jax.experimental.pallas import tpu as pltpu
from jax.experimental.pallas import tpu_sc as plsc

N_PAD = 100352
NC, NS, L = 2, 16, 16
NW = NC * NS
E_TOTAL = 6400000
EPW = 199936
CE = 4992
NCH = EPW // CE
REM = EPW - NCH * CE
TAIL_BASE = NW * EPW
TAIL_PER_TILE = (E_TOTAL - TAIL_BASE) // L


def _sc_compiler_params():
    cp = pltpu.CompilerParams()
    if "needs_layout_passes" in pltpu.CompilerParams.__dataclass_fields__:
        cp = dataclasses.replace(cp, needs_layout_passes=False)
    return cp


def _sc_scatter(edge_index, y):
    mesh = plsc.VectorSubcoreMesh(core_axis_name="c", subcore_axis_name="s")

    @functools.partial(
        pl.kernel,
        compiler_params=_sc_compiler_params(),
        out_type=(
            jax.ShapeDtypeStruct((NW, N_PAD), jnp.float32),
            jax.ShapeDtypeStruct((NW, L), jnp.int32),
        ),
        mesh=mesh,
        scratch_types=[
            pltpu.VMEM((N_PAD,), jnp.float32),
            pltpu.VMEM((2, CE), jnp.int32),
            pltpu.VMEM((CE,), jnp.float32),
            pltpu.VMEM((2, CE), jnp.int32),
            pltpu.VMEM((CE,), jnp.float32),
            pltpu.VMEM((L,), jnp.int32),
            pltpu.SemaphoreType.DMA,
            pltpu.SemaphoreType.DMA,
        ],
    )
    def k(ei_hbm, y_hbm, part_hbm, max_hbm,
          acc, ebuf0, ybuf0, ebuf1, ybuf1,
          maxb, sem0, sem1):
        cid = lax.axis_index("c")
        sid = lax.axis_index("s")
        wid = cid * NS + sid

        ebase = wid * EPW

        def start(c, eb, yb, sem):
            base = pl.multiple_of(ebase + c * CE, 128)
            pltpu.async_copy(ei_hbm.at[:, pl.ds(base, CE)], eb, sem)
            pltpu.async_copy(y_hbm.at[pl.ds(base, CE)], yb, sem)

        def wait(eb, yb, sem):
            pltpu.make_async_copy(ei_hbm.at[:, pl.ds(0, CE)], eb, sem).wait()
            pltpu.make_async_copy(y_hbm.at[pl.ds(0, CE)], yb, sem).wait()

        def scatter_quads(eb, yb, nquads):
            def group(j, mv):
                s = eb[0, pl.ds(j, L)]
                d = eb[1, pl.ds(j, L)]
                yv = yb[pl.ds(j, L)]
                plsc.addupdate_scatter(acc, [d], yv)
                plsc.addupdate_scatter(acc, [s], -yv)
                return jnp.maximum(mv, jnp.maximum(s, d))

            maxb[...] = plsc.parallel_loop(
                0, nquads * 4 * L, step=L, unroll=8, carry=maxb[...])(group)

        assert CE % (4 * L) == 0 and TAIL_PER_TILE % (4 * L) == 0
        assert REM % (4 * L) == 0 and REM % 128 == 0 and NCH % 2 == 0
        start(0, ebuf0, ybuf0, sem0)
        start(1, ebuf1, ybuf1, sem1)

        zero16 = jnp.zeros((L,), jnp.float32)

        @plsc.parallel_loop(0, N_PAD, step=L, unroll=8)
        def _(i):
            acc[pl.ds(i, L)] = zero16

        maxb[...] = jnp.zeros((L,), jnp.int32)

        @pl.loop(0, NCH, step=2)
        def _(c):
            wait(ebuf0, ybuf0, sem0)
            scatter_quads(ebuf0, ybuf0, CE // (4 * L))

            @pl.when(c + 2 < NCH)
            def _():
                start(c + 2, ebuf0, ybuf0, sem0)

            wait(ebuf1, ybuf1, sem1)
            scatter_quads(ebuf1, ybuf1, CE // (4 * L))

            @pl.when(c + 3 < NCH)
            def _():
                start(c + 3, ebuf1, ybuf1, sem1)

        rbase = pl.multiple_of(ebase + NCH * CE, 128)
        pltpu.sync_copy(ei_hbm.at[:, pl.ds(rbase, REM)],
                        ebuf0.at[:, pl.ds(0, REM)])
        pltpu.sync_copy(y_hbm.at[pl.ds(rbase, REM)], ybuf0.at[pl.ds(0, REM)])
        scatter_quads(ebuf0, ybuf0, REM // (4 * L))

        @pl.when(wid < NS)
        def _():
            tbase = pl.multiple_of(TAIL_BASE + wid * TAIL_PER_TILE, 128)
            pltpu.sync_copy(ei_hbm.at[:, pl.ds(tbase, TAIL_PER_TILE)],
                            ebuf0.at[:, pl.ds(0, TAIL_PER_TILE)])
            pltpu.sync_copy(y_hbm.at[pl.ds(tbase, TAIL_PER_TILE)],
                            ybuf0.at[pl.ds(0, TAIL_PER_TILE)])
            scatter_quads(ebuf0, ybuf0, TAIL_PER_TILE // (4 * L))

        pltpu.sync_copy(acc, part_hbm.at[wid])
        pltpu.sync_copy(maxb, max_hbm.at[wid])

    return k(edge_index, y)


def _tc_finalize(partials, maxes):
    rows = N_PAD // 128

    def body(p_ref, m_ref, o_ref):
        a = p_ref[...]
        diff = a[:rows]
        for w in range(1, NW):
            diff = diff + a[w * rows:(w + 1) * rows]
        m = jnp.max(m_ref[...])
        o_ref[0, 0] = jnp.sum(jnp.abs(diff)) / (m.astype(jnp.float32) + 1.0)

    p2 = partials.reshape(NW * rows, 128)
    m2 = maxes.reshape(NW * L // 128, 128)
    return pl.pallas_call(
        body,
        out_shape=jax.ShapeDtypeStruct((1, 1), jnp.float32),
        out_specs=pl.BlockSpec(memory_space=pltpu.SMEM),
    )(p2, m2)


def kernel(edge_index, y_hat):
    y = y_hat.reshape(-1)
    partials, maxes = _sc_scatter(edge_index, y)
    return _tc_finalize(partials, maxes)[0, 0]

# --- scband reference (transcript-rebuilt; emitter-appended) ---
"""Pipeline reference for scband-flow-loss-58102317580772 (READ-ONLY COPY).

The authoritative reference and input builder live on the scoring server;
editing this copy changes nothing except your own understanding.
"""

import jax, jax.numpy as jnp
import numpy as np

N_NODES = 100000
N_EDGES = 6400000


def setup_inputs(seed: int = 0) -> dict:
    key = jax.random.key(seed)
    k1, k2 = jax.random.split(key)
    edge_index = jax.random.randint(k1, (2, N_EDGES), 0, N_NODES, dtype=jnp.int32)
    y_hat = jax.random.normal(k2, (N_EDGES, 1), dtype=jnp.float32)
    return {"edge_index": edge_index, "y_hat": y_hat}


def reference(edge_index, y_hat):
    # num_nodes = edge_index.max() + 1, kept as a traced scalar; buffers use the
    # static upper bound N_NODES, with unused slots exactly zero in both sums.
    num_nodes = jnp.max(edge_index).astype(jnp.float32) + 1.0
    yh = jnp.squeeze(y_hat, axis=-1).astype(jnp.float32)
    incoming = jnp.zeros((N_NODES,), dtype=jnp.float32).at[edge_index[1, :]].add(yh)
    outgoing = jnp.zeros((N_NODES,), dtype=jnp.float32).at[edge_index[0, :]].add(yh)
    # reduction == 'mean'
    loss = jnp.sum(jnp.abs(incoming - outgoing)) / num_nodes
    return loss

if __name__ == "__main__":
    import jax
    _d = setup_inputs()
    print(jax.jit(kernel)(*tuple(_d.values())))

</pallas_src>

<mosaic_0001>
#map = affine_map<(d0, d1) -> (0, 0)>
#map1 = affine_map<(d0, d1) -> (0)>
module attributes {stable_mosaic.version = 14 : i64} {
  func.func @k(%arg0: i32, %arg1: i32, %arg2: memref<2x6400000xi32, #tpu.memory_space<hbm>>, %arg3: memref<6400000xf32, #tpu.memory_space<hbm>>, %arg4: memref<32x100352xf32, #tpu.memory_space<hbm>>, %arg5: memref<32x16xi32, #tpu.memory_space<hbm>>, %arg6: memref<100352xf32, #tpu.memory_space<vmem>>, %arg7: memref<2x4992xi32, #tpu.memory_space<vmem>>, %arg8: memref<4992xf32, #tpu.memory_space<vmem>>, %arg9: memref<2x4992xi32, #tpu.memory_space<vmem>>, %arg10: memref<4992xf32, #tpu.memory_space<vmem>>, %arg11: memref<16xi32, #tpu.memory_space<vmem>>, %arg12: memref<!tpu.dma_semaphore, #tpu.memory_space<semaphore_mem>>, %arg13: memref<!tpu.dma_semaphore, #tpu.memory_space<semaphore_mem>>) attributes {dimension_semantics = [#tpu.dimension_semantics<core_parallel>, #tpu.dimension_semantics<subcore_parallel>], iteration_bounds = array<i64: 2, 16>, scalar_prefetch = 0 : i64, scratch_operands = 8 : i64, tpu.core_type = #tpu.core_type<sc_vector_subcore>, window_params = [{transform_indices = #map}, {transform_indices = #map1}, {transform_indices = #map}, {transform_indices = #map}]} {
    %mul3A = arith.constant 16 : i32
    %mul3A_0 = arith.muli %arg0, %mul3A : i32
    %add3A = arith.addi %mul3A_0, %arg1 : i32
    %mul3A_1 = arith.constant 199936 : i32
    %mul3A_2 = arith.muli %add3A, %mul3A_1 : i32
    %add3A_3 = arith.constant 0 : i32
    %add3A_4 = arith.addi %mul3A_2, %add3A_3 : i32
    %multiple_of3A = tpu.assume_multiple %add3A_4, 128 : i32
    %dma_start3A = arith.constant 0 : i32
    %dma_start3A_5 = tpu.memref_slice %arg2[%dma_start3A, %multiple_of3A] : memref<2x6400000xi32, #tpu.memory_space<hbm>> -> memref<2x4992xi32, #tpu.memory_space<hbm>>
    %dma_start3A_6 = arith.constant 0 : i32
    %dma_start3A_7 = tpu.memref_slice %arg2[%dma_start3A_6, %multiple_of3A] : memref<2x6400000xi32, #tpu.memory_space<hbm>> -> memref<2x4992xi32, #tpu.memory_space<hbm>>
    tpu.enqueue_dma source(%dma_start3A_7 : memref<2x4992xi32, #tpu.memory_space<hbm>>) target(%arg7 : memref<2x4992xi32, #tpu.memory_space<vmem>>) target_semaphore(%arg12 : memref<!tpu.dma_semaphore, #tpu.memory_space<semaphore_mem>>)
    %dma_start3A_8 = tpu.memref_slice %arg3[%multiple_of3A] : memref<6400000xf32, #tpu.memory_space<hbm>> -> memref<4992xf32, #tpu.memory_space<hbm>>
    %dma_start3A_9 = tpu.memref_slice %arg3[%multiple_of3A] : memref<6400000xf32, #tpu.memory_space<hbm>> -> memref<4992xf32, #tpu.memory_space<hbm>>
    tpu.enqueue_dma source(%dma_start3A_9 : memref<4992xf32, #tpu.memory_space<hbm>>) target(%arg8 : memref<4992xf32, #tpu.memory_space<vmem>>) target_semaphore(%arg12 : memref<!tpu.dma_semaphore, #tpu.memory_space<semaphore_mem>>)
    %add3A_10 = arith.constant 4992 : i32
    %add3A_11 = arith.addi %mul3A_2, %add3A_10 : i32
    %multiple_of3A_12 = tpu.assume_multiple %add3A_11, 128 : i32
    %dma_start3A_13 = arith.constant 0 : i32
    %dma_start3A_14 = tpu.memref_slice %arg2[%dma_start3A_13, %multiple_of3A_12] : memref<2x6400000xi32, #tpu.memory_space<hbm>> -> memref<2x4992xi32, #tpu.memory_space<hbm>>
    %dma_start3A_15 = arith.constant 0 : i32
    %dma_start3A_16 = tpu.memref_slice %arg2[%dma_start3A_15, %multiple_of3A_12] : memref<2x6400000xi32, #tpu.memory_space<hbm>> -> memref<2x4992xi32, #tpu.memory_space<hbm>>
    tpu.enqueue_dma source(%dma_start3A_16 : memref<2x4992xi32, #tpu.memory_space<hbm>>) target(%arg9 : memref<2x4992xi32, #tpu.memory_space<vmem>>) target_semaphore(%arg13 : memref<!tpu.dma_semaphore, #tpu.memory_space<semaphore_mem>>)
    %dma_start3A_17 = tpu.memref_slice %arg3[%multiple_of3A_12] : memref<6400000xf32, #tpu.memory_space<hbm>> -> memref<4992xf32, #tpu.memory_space<hbm>>
    %dma_start3A_18 = tpu.memref_slice %arg3[%multiple_of3A_12] : memref<6400000xf32, #tpu.memory_space<hbm>> -> memref<4992xf32, #tpu.memory_space<hbm>>
    tpu.enqueue_dma source(%dma_start3A_18 : memref<4992xf32, #tpu.memory_space<hbm>>) target(%arg10 : memref<4992xf32, #tpu.memory_space<vmem>>) target_semaphore(%arg13 : memref<!tpu.dma_semaphore, #tpu.memory_space<semaphore_mem>>)
    %broadcast_in_dim3A = arith.constant 0.000000e+00 : f32
    %broadcast_in_dim3A_19 = vector.broadcast %broadcast_in_dim3A : f32 to vector<16xf32>
    %parallel_loop3A = arith.constant 0 : i32
    %parallel_loop3A_20 = arith.constant 100352 : i32
    %parallel_loop3A_21 = arith.constant 16 : i32
    scf.for %parallel_loop3A_41 = %parallel_loop3A to %parallel_loop3A_20 step %parallel_loop3A_21  : i32 {
      %parallel_loop3A_42 = arith.index_cast %parallel_loop3A_41 : i32 to index
      %parallel_loop3A_43 = tpu.vector_load %arg6[%parallel_loop3A_42] {strides = array<i32>} : memref<100352xf32, #tpu.memory_space<vmem>>, vector<16xf32>,
      tpu.vector_store %arg6[%parallel_loop3A_42], %broadcast_in_dim3A_19 {strides = array<i32>} : memref<100352xf32, #tpu.memory_space<vmem>>, vector<16xf32>,
    } {sc.loop_unroll_factor = 8 : i64, sc.parallel_access}
    %broadcast_in_dim3A_22 = arith.constant 0 : i32
    %broadcast_in_dim3A_23 = vector.broadcast %broadcast_in_dim3A_22 : i32 to vector<16xi32>
    %swap3A = arith.constant 0 : index
    %swap3A_24 = tpu.vector_load %arg11[%swap3A] {strides = array<i32>} : memref<16xi32, #tpu.memory_space<vmem>>, vector<16xi32>,
    tpu.vector_store %arg11[%swap3A], %broadcast_in_dim3A_23 {strides = array<i32>} : memref<16xi32, #tpu.memory_space<vmem>>, vector<16xi32>,
    %scan3A = arith.constant 0 : i32
    %scan3A_25 = arith.constant 20 : i32
    %scan3A_26 = arith.addi %scan3A, %scan3A_25 : i32
    %scan3A_27 = arith.constant 1 : i32
    scf.for %scan3A_41 = %scan3A to %scan3A_26 step %scan3A_27  : i32 {
      %mul3A_42 = arith.constant 2 : i32
      %mul3A_43 = arith.muli %scan3A_41, %mul3A_42 : i32
      %add3A_44 = arith.constant 0 : i32
      %add3A_45 = arith.addi %add3A_44, %mul3A_43 : i32
      %dma_wait3A = arith.constant 0 : i32
      %dma_wait3A_46 = arith.constant 0 : i32
      %dma_wait3A_47 = tpu.memref_slice %arg2[%dma_wait3A, %dma_wait3A_46] : memref<2x6400000xi32, #tpu.memory_space<hbm>> -> memref<2x4992xi32, #tpu.memory_space<hbm>>
      %dma_wait3A_48 = arith.constant 0 : i32
      %dma_wait3A_49 = arith.constant 0 : i32
      %dma_wait3A_50 = tpu.memref_slice %arg2[%dma_wait3A_48, %dma_wait3A_49] : memref<2x6400000xi32, #tpu.memory_space<hbm>> -> memref<2x4992xi32, #tpu.memory_space<hbm>>
      tpu.wait_dma2 semaphore(%arg12 : memref<!tpu.dma_semaphore, #tpu.memory_space<semaphore_mem>>) src(%dma_wait3A_50 : memref<2x4992xi32, #tpu.memory_space<hbm>>) dst(%arg7 : memref<2x4992xi32, #tpu.memory_space<vmem>>)
      %dma_wait3A_51 = arith.constant 0 : i32
      %dma_wait3A_52 = tpu.memref_slice %arg3[%dma_wait3A_51] : memref<6400000xf32, #tpu.memory_space<hbm>> -> memref<4992xf32, #tpu.memory_space<hbm>>
      %dma_wait3A_53 = arith.constant 0 : i32
      %dma_wait3A_54 = tpu.memref_slice %arg3[%dma_wait3A_53] : memref<6400000xf32, #tpu.memory_space<hbm>> -> memref<4992xf32, #tpu.memory_space<hbm>>
      tpu.wait_dma2 semaphore(%arg12 : memref<!tpu.dma_semaphore, #tpu.memory_space<semaphore_mem>>) src(%dma_wait3A_54 : memref<4992xf32, #tpu.memory_space<hbm>>) dst(%arg8 : memref<4992xf32, #tpu.memory_space<vmem>>)
      %get3A_55 = arith.constant 0 : index
      %get3A_56 = tpu.vector_load %arg11[%get3A_55] {strides = array<i32>} : memref<16xi32, #tpu.memory_space<vmem>>, vector<16xi32>,
      %parallel_loop3A_57 = arith.constant 0 : i32
      %parallel_loop3A_58 = arith.constant 4992 : i32
      %parallel_loop3A_59 = arith.constant 16 : i32
      %parallel_loop3A_60 = scf.for %parallel_loop3A_95 = %parallel_loop3A_57 to %parallel_loop3A_58 step %parallel_loop3A_59 iter_args(%parallel_loop3A_96 = %get3A_56) -> (vector<16xi32>)  : i32 {
        %parallel_loop3A_97 = arith.constant 0 : i32
        %parallel_loop3A_98 = arith.index_cast %parallel_loop3A_97 : i32 to index
        %parallel_loop3A_99 = arith.index_cast %parallel_loop3A_95 : i32 to index
        %parallel_loop3A_100 = tpu.vector_load %arg7[%parallel_loop3A_98, %parallel_loop3A_99] {strides = array<i32>} : memref<2x4992xi32, #tpu.memory_space<vmem>>, vector<16xi32>,
        %parallel_loop3A_101 = arith.constant 1 : i32
        %parallel_loop3A_102 = arith.index_cast %parallel_loop3A_101 : i32 to index
        %parallel_loop3A_103 = arith.index_cast %parallel_loop3A_95 : i32 to index
        %parallel_loop3A_104 = tpu.vector_load %arg7[%parallel_loop3A_102, %parallel_loop3A_103] {strides = array<i32>} : memref<2x4992xi32, #tpu.memory_space<vmem>>, vector<16xi32>,
        %parallel_loop3A_105 = arith.index_cast %parallel_loop3A_95 : i32 to index
        %parallel_loop3A_106 = tpu.vector_load %arg8[%parallel_loop3A_105] {strides = array<i32>} : memref<4992xf32, #tpu.memory_space<vmem>>, vector<16xf32>,
        tpu.vector_store_idx %arg6[%parallel_loop3A_104], %parallel_loop3A_106 {add = true} : memref<100352xf32, #tpu.memory_space<vmem>>[vector<16xi32>], vector<16xf32>,
        %parallel_loop3A_107 = arith.constant 0.000000e+00 : f32
        %parallel_loop3A_108 = vector.broadcast %parallel_loop3A_107 : f32 to vector<16xf32>
        %parallel_loop3A_109 = arith.subf %parallel_loop3A_108, %parallel_loop3A_106 : vector<16xf32>
        tpu.vector_store_idx %arg6[%parallel_loop3A_100], %parallel_loop3A_109 {add = true} : memref<100352xf32, #tpu.memory_space<vmem>>[vector<16xi32>], vector<16xf32>,
        %parallel_loop3A_110 = arith.maxsi %parallel_loop3A_100, %parallel_loop3A_104 : vector<16xi32>
        %parallel_loop3A_111 = arith.maxsi %parallel_loop3A_96, %parallel_loop3A_110 : vector<16xi32>
        scf.yield %parallel_loop3A_111 : vector<16xi32>
      } {sc.loop_unroll_factor = 8 : i64, sc.parallel_access}
      %swap3A_61 = arith.constant 0 : index
      %swap3A_62 = tpu.vector_load %arg11[%swap3A_61] {strides = array<i32>} : memref<16xi32, #tpu.memory_space<vmem>>, vector<16xi32>,
      tpu.vector_store %arg11[%swap3A_61], %parallel_loop3A_60 {strides = array<i32>} : memref<16xi32, #tpu.memory_space<vmem>>, vector<16xi32>,
      %add3A_63 = arith.constant 2 : i32
      %add3A_64 = arith.addi %add3A_45, %add3A_63 : i32
      %lt3A_65 = arith.constant 40 : i32
      %lt3A_66 = arith.cmpi slt, %add3A_64, %lt3A_65 : i32
      %convert_element_type3A_67 = arith.extui %lt3A_66 : i1 to i32
      %cond3A_68 = arith.constant 0 : i32
      %cond3A_69 = arith.cmpi ne, %convert_element_type3A_67, %cond3A_68 : i32
      scf.if %cond3A_69 {
        %add3A_95 = arith.constant 2 : i32
        %add3A_96 = arith.addi %add3A_45, %add3A_95 : i32
        %mul3A_97 = arith.constant 4992 : i32
        %mul3A_98 = arith.muli %add3A_96, %mul3A_97 : i32
        %add3A_99 = arith.addi %mul3A_2, %mul3A_98 : i32
        %multiple_of3A_100 = tpu.assume_multiple %add3A_99, 128 : i32
        %dma_start3A_101 = arith.constant 0 : i32
        %dma_start3A_102 = tpu.memref_slice %arg2[%dma_start3A_101, %multiple_of3A_100] : memref<2x6400000xi32, #tpu.memory_space<hbm>> -> memref<2x4992xi32, #tpu.memory_space<hbm>>
        %dma_start3A_103 = arith.constant 0 : i32
        %dma_start3A_104 = tpu.memref_slice %arg2[%dma_start3A_103, %multiple_of3A_100] : memref<2x6400000xi32, #tpu.memory_space<hbm>> -> memref<2x4992xi32, #tpu.memory_space<hbm>>
        tpu.enqueue_dma source(%dma_start3A_104 : memref<2x4992xi32, #tpu.memory_space<hbm>>) target(%arg7 : memref<2x4992xi32, #tpu.memory_space<vmem>>) target_semaphore(%arg12 : memref<!tpu.dma_semaphore, #tpu.memory_space<semaphore_mem>>)
        %dma_start3A_105 = tpu.memref_slice %arg3[%multiple_of3A_100] : memref<6400000xf32, #tpu.memory_space<hbm>> -> memref<4992xf32, #tpu.memory_space<hbm>>
        %dma_start3A_106 = tpu.memref_slice %arg3[%multiple_of3A_100] : memref<6400000xf32, #tpu.memory_space<hbm>> -> memref<4992xf32, #tpu.memory_space<hbm>>
        tpu.enqueue_dma source(%dma_start3A_106 : memref<4992xf32, #tpu.memory_space<hbm>>) target(%arg8 : memref<4992xf32, #tpu.memory_space<vmem>>) target_semaphore(%arg12 : memref<!tpu.dma_semaphore, #tpu.memory_space<semaphore_mem>>)
      } else {
      }
      %dma_wait3A_70 = arith.constant 0 : i32
      %dma_wait3A_71 = arith.constant 0 : i32
      %dma_wait3A_72 = tpu.memref_slice %arg2[%dma_wait3A_70, %dma_wait3A_71] : memref<2x6400000xi32, #tpu.memory_space<hbm>> -> memref<2x4992xi32, #tpu.memory_space<hbm>>
      %dma_wait3A_73 = arith.constant 0 : i32
      %dma_wait3A_74 = arith.constant 0 : i32
      %dma_wait3A_75 = tpu.memref_slice %arg2[%dma_wait3A_73, %dma_wait3A_74] : memref<2x6400000xi32, #tpu.memory_space<hbm>> -> memref<2x4992xi32, #tpu.memory_space<hbm>>
      tpu.wait_dma2 semaphore(%arg13 : memref<!tpu.dma_semaphore, #tpu.memory_space<semaphore_mem>>) src(%dma_wait3A_75 : memref<2x4992xi32, #tpu.memory_space<hbm>>) dst(%arg9 : memref<2x4992xi32, #tpu.memory_space<vmem>>)
      %dma_wait3A_76 = arith.constant 0 : i32
      %dma_wait3A_77 = tpu.memref_slice %arg3[%dma_wait3A_76] : memref<6400000xf32, #tpu.memory_space<hbm>> -> memref<4992xf32, #tpu.memory_space<hbm>>
      %dma_wait3A_78 = arith.constant 0 : i32
      %dma_wait3A_79 = tpu.memref_slice %arg3[%dma_wait3A_78] : memref<6400000xf32, #tpu.memory_space<hbm>> -> memref<4992xf32, #tpu.memory_space<hbm>>
      tpu.wait_dma2 semaphore(%arg13 : memref<!tpu.dma_semaphore, #tpu.memory_space<semaphore_mem>>) src(%dma_wait3A_79 : memref<4992xf32, #tpu.memory_space<hbm>>) dst(%arg10 : memref<4992xf32, #tpu.memory_space<vmem>>)
      %get3A_80 = arith.constant 0 : index
      %get3A_81 = tpu.vector_load %arg11[%get3A_80] {strides = array<i32>} : memref<16xi32, #tpu.memory_space<vmem>>, vector<16xi32>,
      %parallel_loop3A_82 = arith.constant 0 : i32
      %parallel_loop3A_83 = arith.constant 4992 : i32
      %parallel_loop3A_84 = arith.constant 16 : i32
      %parallel_loop3A_85 = scf.for %parallel_loop3A_95 = %parallel_loop3A_82 to %parallel_loop3A_83 step %parallel_loop3A_84 iter_args(%parallel_loop3A_96 = %get3A_81) -> (vector<16xi32>)  : i32 {
        %parallel_loop3A_97 = arith.constant 0 : i32
        %parallel_loop3A_98 = arith.index_cast %parallel_loop3A_97 : i32 to index
        %parallel_loop3A_99 = arith.index_cast %parallel_loop3A_95 : i32 to index
        %parallel_loop3A_100 = tpu.vector_load %arg9[%parallel_loop3A_98, %parallel_loop3A_99] {strides = array<i32>} : memref<2x4992xi32, #tpu.memory_space<vmem>>, vector<16xi32>,
        %parallel_loop3A_101 = arith.constant 1 : i32
        %parallel_loop3A_102 = arith.index_cast %parallel_loop3A_101 : i32 to index
        %parallel_loop3A_103 = arith.index_cast %parallel_loop3A_95 : i32 to index
        %parallel_loop3A_104 = tpu.vector_load %arg9[%parallel_loop3A_102, %parallel_loop3A_103] {strides = array<i32>} : memref<2x4992xi32, #tpu.memory_space<vmem>>, vector<16xi32>,
        %parallel_loop3A_105 = arith.index_cast %parallel_loop3A_95 : i32 to index
        %parallel_loop3A_106 = tpu.vector_load %arg10[%parallel_loop3A_105] {strides = array<i32>} : memref<4992xf32, #tpu.memory_space<vmem>>, vector<16xf32>,
        tpu.vector_store_idx %arg6[%parallel_loop3A_104], %parallel_loop3A_106 {add = true} : memref<100352xf32, #tpu.memory_space<vmem>>[vector<16xi32>], vector<16xf32>,
        %parallel_loop3A_107 = arith.constant 0.000000e+00 : f32
        %parallel_loop3A_108 = vector.broadcast %parallel_loop3A_107 : f32 to vector<16xf32>
        %parallel_loop3A_109 = arith.subf %parallel_loop3A_108, %parallel_loop3A_106 : vector<16xf32>
        tpu.vector_store_idx %arg6[%parallel_loop3A_100], %parallel_loop3A_109 {add = true} : memref<100352xf32, #tpu.memory_space<vmem>>[vector<16xi32>], vector<16xf32>,
        %parallel_loop3A_110 = arith.maxsi %parallel_loop3A_100, %parallel_loop3A_104 : vector<16xi32>
        %parallel_loop3A_111 = arith.maxsi %parallel_loop3A_96, %parallel_loop3A_110 : vector<16xi32>
        scf.yield %parallel_loop3A_111 : vector<16xi32>
      } {sc.loop_unroll_factor = 8 : i64, sc.parallel_access}
      %swap3A_86 = arith.constant 0 : index
      %swap3A_87 = tpu.vector_load %arg11[%swap3A_86] {strides = array<i32>} : memref<16xi32, #tpu.memory_space<vmem>>, vector<16xi32>,
      tpu.vector_store %arg11[%swap3A_86], %parallel_loop3A_85 {strides = array<i32>} : memref<16xi32, #tpu.memory_space<vmem>>, vector<16xi32>,
      %add3A_88 = arith.constant 3 : i32
      %add3A_89 = arith.addi %add3A_45, %add3A_88 : i32
      %lt3A_90 = arith.constant 40 : i32
      %lt3A_91 = arith.cmpi slt, %add3A_89, %lt3A_90 : i32
      %convert_element_type3A_92 = arith.extui %lt3A_91 : i1 to i32
      %cond3A_93 = arith.constant 0 : i32
      %cond3A_94 = arith.cmpi ne, %convert_element_type3A_92, %cond3A_93 : i32
      scf.if %cond3A_94 {
        %add3A_95 = arith.constant 3 : i32
        %add3A_96 = arith.addi %add3A_45, %add3A_95 : i32
        %mul3A_97 = arith.constant 4992 : i32
        %mul3A_98 = arith.muli %add3A_96, %mul3A_97 : i32
        %add3A_99 = arith.addi %mul3A_2, %mul3A_98 : i32
        %multiple_of3A_100 = tpu.assume_multiple %add3A_99, 128 : i32
        %dma_start3A_101 = arith.constant 0 : i32
        %dma_start3A_102 = tpu.memref_slice %arg2[%dma_start3A_101, %multiple_of3A_100] : memref<2x6400000xi32, #tpu.memory_space<hbm>> -> memref<2x4992xi32, #tpu.memory_space<hbm>>
        %dma_start3A_103 = arith.constant 0 : i32
        %dma_start3A_104 = tpu.memref_slice %arg2[%dma_start3A_103, %multiple_of3A_100] : memref<2x6400000xi32, #tpu.memory_space<hbm>> -> memref<2x4992xi32, #tpu.memory_space<hbm>>
        tpu.enqueue_dma source(%dma_start3A_104 : memref<2x4992xi32, #tpu.memory_space<hbm>>) target(%arg9 : memref<2x4992xi32, #tpu.memory_space<vmem>>) target_semaphore(%arg13 : memref<!tpu.dma_semaphore, #tpu.memory_space<semaphore_mem>>)
        %dma_start3A_105 = tpu.memref_slice %arg3[%multiple_of3A_100] : memref<6400000xf32, #tpu.memory_space<hbm>> -> memref<4992xf32, #tpu.memory_space<hbm>>
        %dma_start3A_106 = tpu.memref_slice %arg3[%multiple_of3A_100] : memref<6400000xf32, #tpu.memory_space<hbm>> -> memref<4992xf32, #tpu.memory_space<hbm>>
        tpu.enqueue_dma source(%dma_start3A_106 : memref<4992xf32, #tpu.memory_space<hbm>>) target(%arg10 : memref<4992xf32, #tpu.memory_space<vmem>>) target_semaphore(%arg13 : memref<!tpu.dma_semaphore, #tpu.memory_space<semaphore_mem>>)
      } else {
      }
    }
    %scan3A_28 = arith.constant 20 : i32
    %add3A_29 = arith.constant 199680 : i32
    %add3A_30 = arith.addi %mul3A_2, %add3A_29 : i32
    %multiple_of3A_31 = tpu.assume_multiple %add3A_30, 128 : i32
    "tpu.region"() ({
      %run_scoped3A = tpu.sem_alloc : memref<!tpu.dma_semaphore, #tpu.memory_space<semaphore_mem>>
      %dma_start3A_41 = arith.constant 0 : i32
      %dma_start3A_42 = arith.constant 0 : i32
      %dma_start3A_43 = tpu.memref_slice %arg7[%dma_start3A_41, %dma_start3A_42] : memref<2x4992xi32, #tpu.memory_space<vmem>> -> memref<2x256xi32, #tpu.memory_space<vmem>>
      %dma_start3A_44 = arith.constant 0 : i32
      %dma_start3A_45 = tpu.memref_slice %arg2[%dma_start3A_44, %multiple_of3A_31] : memref<2x6400000xi32, #tpu.memory_space<hbm>> -> memref<2x256xi32, #tpu.memory_space<hbm>>
      %dma_start3A_46 = arith.constant 0 : i32
      %dma_start3A_47 = arith.constant 0 : i32
      %dma_start3A_48 = tpu.memref_slice %arg7[%dma_start3A_46, %dma_start3A_47] : memref<2x4992xi32, #tpu.memory_space<vmem>> -> memref<2x256xi32, #tpu.memory_space<vmem>>
      %dma_start3A_49 = arith.constant 0 : i32
      %dma_start3A_50 = tpu.memref_slice %arg2[%dma_start3A_49, %multiple_of3A_31] : memref<2x6400000xi32, #tpu.memory_space<hbm>> -> memref<2x256xi32, #tpu.memory_space<hbm>>
      tpu.enqueue_dma source(%dma_start3A_50 : memref<2x256xi32, #tpu.memory_space<hbm>>) target(%dma_start3A_48 : memref<2x256xi32, #tpu.memory_space<vmem>>) target_semaphore(%run_scoped3A : memref<!tpu.dma_semaphore, #tpu.memory_space<semaphore_mem>>)
      %dma_wait3A = arith.constant 0 : i32
      %dma_wait3A_51 = arith.constant 0 : i32
      %dma_wait3A_52 = tpu.memref_slice %arg7[%dma_wait3A, %dma_wait3A_51] : memref<2x4992xi32, #tpu.memory_space<vmem>> -> memref<2x256xi32, #tpu.memory_space<vmem>>
      %dma_wait3A_53 = arith.constant 0 : i32
      %dma_wait3A_54 = tpu.memref_slice %arg2[%dma_wait3A_53, %multiple_of3A_31] : memref<2x6400000xi32, #tpu.memory_space<hbm>> -> memref<2x256xi32, #tpu.memory_space<hbm>>
      %dma_wait3A_55 = arith.constant 0 : i32
      %dma_wait3A_56 = arith.constant 0 : i32
      %dma_wait3A_57 = tpu.memref_slice %arg7[%dma_wait3A_55, %dma_wait3A_56] : memref<2x4992xi32, #tpu.memory_space<vmem>> -> memref<2x256xi32, #tpu.memory_space<vmem>>
      %dma_wait3A_58 = arith.constant 0 : i32
      %dma_wait3A_59 = tpu.memref_slice %arg2[%dma_wait3A_58, %multiple_of3A_31] : memref<2x6400000xi32, #tpu.memory_space<hbm>> -> memref<2x256xi32, #tpu.memory_space<hbm>>
      tpu.wait_dma2 semaphore(%run_scoped3A : memref<!tpu.dma_semaphore, #tpu.memory_space<semaphore_mem>>) src(%dma_wait3A_59 : memref<2x256xi32, #tpu.memory_space<hbm>>) dst(%dma_wait3A_57 : memref<2x256xi32, #tpu.memory_space<vmem>>)
      tpu.yield
    }) : () -> ()
    "tpu.region"() ({
      %run_scoped3A = tpu.sem_alloc : memref<!tpu.dma_semaphore, #tpu.memory_space<semaphore_mem>>
      %dma_start3A_41 = arith.constant 0 : i32
      %dma_start3A_42 = tpu.memref_slice %arg8[%dma_start3A_41] : memref<4992xf32, #tpu.memory_space<vmem>> -> memref<256xf32, #tpu.memory_space<vmem>>
      %dma_start3A_43 = tpu.memref_slice %arg3[%multiple_of3A_31] : memref<6400000xf32, #tpu.memory_space<hbm>> -> memref<256xf32, #tpu.memory_space<hbm>>
      %dma_start3A_44 = arith.constant 0 : i32
      %dma_start3A_45 = tpu.memref_slice %arg8[%dma_start3A_44] : memref<4992xf32, #tpu.memory_space<vmem>> -> memref<256xf32, #tpu.memory_space<vmem>>
      %dma_start3A_46 = tpu.memref_slice %arg3[%multiple_of3A_31] : memref<6400000xf32, #tpu.memory_space<hbm>> -> memref<256xf32, #tpu.memory_space<hbm>>
      tpu.enqueue_dma source(%dma_start3A_46 : memref<256xf32, #tpu.memory_space<hbm>>) target(%dma_start3A_45 : memref<256xf32, #tpu.memory_space<vmem>>) target_semaphore(%run_scoped3A : memref<!tpu.dma_semaphore, #tpu.memory_space<semaphore_mem>>)
      %dma_wait3A = arith.constant 0 : i32
      %dma_wait3A_47 = tpu.memref_slice %arg8[%dma_wait3A] : memref<4992xf32, #tpu.memory_space<vmem>> -> memref<256xf32, #tpu.memory_space<vmem>>
      %dma_wait3A_48 = tpu.memref_slice %arg3[%multiple_of3A_31] : memref<6400000xf32, #tpu.memory_space<hbm>> -> memref<256xf32, #tpu.memory_space<hbm>>
      %dma_wait3A_49 = arith.constant 0 : i32
      %dma_wait3A_50 = tpu.memref_slice %arg8[%dma_wait3A_49] : memref<4992xf32, #tpu.memory_space<vmem>> -> memref<256xf32, #tpu.memory_space<vmem>>
      %dma_wait3A_51 = tpu.memref_slice %arg3[%multiple_of3A_31] : memref<6400000xf32, #tpu.memory_space<hbm>> -> memref<256xf32, #tpu.memory_space<hbm>>
      tpu.wait_dma2 semaphore(%run_scoped3A : memref<!tpu.dma_semaphore, #tpu.memory_space<semaphore_mem>>) src(%dma_wait3A_51 : memref<256xf32, #tpu.memory_space<hbm>>) dst(%dma_wait3A_50 : memref<256xf32, #tpu.memory_space<vmem>>)
      tpu.yield
    }) : () -> ()
    %get3A = arith.constant 0 : index
    %get3A_32 = tpu.vector_load %arg11[%get3A] {strides = array<i32>} : memref<16xi32, #tpu.memory_space<vmem>>, vector<16xi32>,
    %parallel_loop3A_33 = arith.constant 0 : i32
    %parallel_loop3A_34 = arith.constant 256 : i32
    %parallel_loop3A_35 = arith.constant 16 : i32
    %parallel_loop3A_36 = scf.for %parallel_loop3A_41 = %parallel_loop3A_33 to %parallel_loop3A_34 step %parallel_loop3A_35 iter_args(%parallel_loop3A_42 = %get3A_32) -> (vector<16xi32>)  : i32 {
      %parallel_loop3A_43 = arith.constant 0 : i32
      %parallel_loop3A_44 = arith.index_cast %parallel_loop3A_43 : i32 to index
      %parallel_loop3A_45 = arith.index_cast %parallel_loop3A_41 : i32 to index
      %parallel_loop3A_46 = tpu.vector_load %arg7[%parallel_loop3A_44, %parallel_loop3A_45] {strides = array<i32>} : memref<2x4992xi32, #tpu.memory_space<vmem>>, vector<16xi32>,
      %parallel_loop3A_47 = arith.constant 1 : i32
      %parallel_loop3A_48 = arith.index_cast %parallel_loop3A_47 : i32 to index
      %parallel_loop3A_49 = arith.index_cast %parallel_loop3A_41 : i32 to index
      %parallel_loop3A_50 = tpu.vector_load %arg7[%parallel_loop3A_48, %parallel_loop3A_49] {strides = array<i32>} : memref<2x4992xi32, #tpu.memory_space<vmem>>, vector<16xi32>,
      %parallel_loop3A_51 = arith.index_cast %parallel_loop3A_41 : i32 to index
      %parallel_loop3A_52 = tpu.vector_load %arg8[%parallel_loop3A_51] {strides = array<i32>} : memref<4992xf32, #tpu.memory_space<vmem>>, vector<16xf32>,
      tpu.vector_store_idx %arg6[%parallel_loop3A_50], %parallel_loop3A_52 {add = true} : memref<100352xf32, #tpu.memory_space<vmem>>[vector<16xi32>], vector<16xf32>,
      %parallel_loop3A_53 = arith.constant 0.000000e+00 : f32
      %parallel_loop3A_54 = vector.broadcast %parallel_loop3A_53 : f32 to vector<16xf32>
      %parallel_loop3A_55 = arith.subf %parallel_loop3A_54, %parallel_loop3A_52 : vector<16xf32>
      tpu.vector_store_idx %arg6[%parallel_loop3A_46], %parallel_loop3A_55 {add = true} : memref<100352xf32, #tpu.memory_space<vmem>>[vector<16xi32>], vector<16xf32>,
      %parallel_loop3A_56 = arith.maxsi %parallel_loop3A_46, %parallel_loop3A_50 : vector<16xi32>
      %parallel_loop3A_57 = arith.maxsi %parallel_loop3A_42, %parallel_loop3A_56 : vector<16xi32>
      scf.yield %parallel_loop3A_57 : vector<16xi32>
    } {sc.loop_unroll_factor = 8 : i64, sc.parallel_access}
    %swap3A_37 = arith.constant 0 : index
    %swap3A_38 = tpu.vector_load %arg11[%swap3A_37] {strides = array<i32>} : memref<16xi32, #tpu.memory_space<vmem>>, vector<16xi32>,
    tpu.vector_store %arg11[%swap3A_37], %parallel_loop3A_36 {strides = array<i32>} : memref<16xi32, #tpu.memory_space<vmem>>, vector<16xi32>,
    %lt3A = arith.constant 16 : i32
    %lt3A_39 = arith.cmpi slt, %add3A, %lt3A : i32
    %convert_element_type3A = arith.extui %lt3A_39 : i1 to i32
    %cond3A = arith.constant 0 : i32
    %cond3A_40 = arith.cmpi ne, %convert_element_type3A, %cond3A : i32
    scf.if %cond3A_40 {
      %mul3A_41 = arith.constant 128 : i32
      %mul3A_42 = arith.muli %add3A, %mul3A_41 : i32
      %add3A_43 = arith.constant 6397952 : i32
      %add3A_44 = arith.addi %add3A_43, %mul3A_42 : i32
      %multiple_of3A_45 = tpu.assume_multiple %add3A_44, 128 : i32
      "tpu.region"() ({
        %run_scoped3A = tpu.sem_alloc : memref<!tpu.dma_semaphore, #tpu.memory_space<semaphore_mem>>
        %dma_start3A_54 = arith.constant 0 : i32
        %dma_start3A_55 = arith.constant 0 : i32
        %dma_start3A_56 = tpu.memref_slice %arg7[%dma_start3A_54, %dma_start3A_55] : memref<2x4992xi32, #tpu.memory_space<vmem>> -> memref<2x128xi32, #tpu.memory_space<vmem>>
        %dma_start3A_57 = arith.constant 0 : i32
        %dma_start3A_58 = tpu.memref_slice %arg2[%dma_start3A_57, %multiple_of3A_45] : memref<2x6400000xi32, #tpu.memory_space<hbm>> -> memref<2x128xi32, #tpu.memory_space<hbm>>
        %dma_start3A_59 = arith.constant 0 : i32
        %dma_start3A_60 = arith.constant 0 : i32
        %dma_start3A_61 = tpu.memref_slice %arg7[%dma_start3A_59, %dma_start3A_60] : memref<2x4992xi32, #tpu.memory_space<vmem>> -> memref<2x128xi32, #tpu.memory_space<vmem>>
        %dma_start3A_62 = arith.constant 0 : i32
        %dma_start3A_63 = tpu.memref_slice %arg2[%dma_start3A_62, %multiple_of3A_45] : memref<2x6400000xi32, #tpu.memory_space<hbm>> -> memref<2x128xi32, #tpu.memory_space<hbm>>
        tpu.enqueue_dma source(%dma_start3A_63 : memref<2x128xi32, #tpu.memory_space<hbm>>) target(%dma_start3A_61 : memref<2x128xi32, #tpu.memory_space<vmem>>) target_semaphore(%run_scoped3A : memref<!tpu.dma_semaphore, #tpu.memory_space<semaphore_mem>>)
        %dma_wait3A = arith.constant 0 : i32
        %dma_wait3A_64 = arith.constant 0 : i32
        %dma_wait3A_65 = tpu.memref_slice %arg7[%dma_wait3A, %dma_wait3A_64] : memref<2x4992xi32, #tpu.memory_space<vmem>> -> memref<2x128xi32, #tpu.memory_space<vmem>>
        %dma_wait3A_66 = arith.constant 0 : i32
        %dma_wait3A_67 = tpu.memref_slice %arg2[%dma_wait3A_66, %multiple_of3A_45] : memref<2x6400000xi32, #tpu.memory_space<hbm>> -> memref<2x128xi32, #tpu.memory_space<hbm>>
        %dma_wait3A_68 = arith.constant 0 : i32
        %dma_wait3A_69 = arith.constant 0 : i32
        %dma_wait3A_70 = tpu.memref_slice %arg7[%dma_wait3A_68, %dma_wait3A_69] : memref<2x4992xi32, #tpu.memory_space<vmem>> -> memref<2x128xi32, #tpu.memory_space<vmem>>
        %dma_wait3A_71 = arith.constant 0 : i32
        %dma_wait3A_72 = tpu.memref_slice %arg2[%dma_wait3A_71, %multiple_of3A_45] : memref<2x6400000xi32, #tpu.memory_space<hbm>> -> memref<2x128xi32, #tpu.memory_space<hbm>>
        tpu.wait_dma2 semaphore(%run_scoped3A : memref<!tpu.dma_semaphore, #tpu.memory_space<semaphore_mem>>) src(%dma_wait3A_72 : memref<2x128xi32, #tpu.memory_space<hbm>>) dst(%dma_wait3A_70 : memref<2x128xi32, #tpu.memory_space<vmem>>)
        tpu.yield
      }) : () -> ()
      "tpu.region"() ({
        %run_scoped3A = tpu.sem_alloc : memref<!tpu.dma_semaphore, #tpu.memory_space<semaphore_mem>>
        %dma_start3A_54 = arith.constant 0 : i32
        %dma_start3A_55 = tpu.memref_slice %arg8[%dma_start3A_54] : memref<4992xf32, #tpu.memory_space<vmem>> -> memref<128xf32, #tpu.memory_space<vmem>>
        %dma_start3A_56 = tpu.memref_slice %arg3[%multiple_of3A_45] : memref<6400000xf32, #tpu.memory_space<hbm>> -> memref<128xf32, #tpu.memory_space<hbm>>
        %dma_start3A_57 = arith.constant 0 : i32
        %dma_start3A_58 = tpu.memref_slice %arg8[%dma_start3A_57] : memref<4992xf32, #tpu.memory_space<vmem>> -> memref<128xf32, #tpu.memory_space<vmem>>
        %dma_start3A_59 = tpu.memref_slice %arg3[%multiple_of3A_45] : memref<6400000xf32, #tpu.memory_space<hbm>> -> memref<128xf32, #tpu.memory_space<hbm>>
        tpu.enqueue_dma source(%dma_start3A_59 : memref<128xf32, #tpu.memory_space<hbm>>) target(%dma_start3A_58 : memref<128xf32, #tpu.memory_space<vmem>>) target_semaphore(%run_scoped3A : memref<!tpu.dma_semaphore, #tpu.memory_space<semaphore_mem>>)
        %dma_wait3A = arith.constant 0 : i32
        %dma_wait3A_60 = tpu.memref_slice %arg8[%dma_wait3A] : memref<4992xf32, #tpu.memory_space<vmem>> -> memref<128xf32, #tpu.memory_space<vmem>>
        %dma_wait3A_61 = tpu.memref_slice %arg3[%multiple_of3A_45] : memref<6400000xf32, #tpu.memory_space<hbm>> -> memref<128xf32, #tpu.memory_space<hbm>>
        %dma_wait3A_62 = arith.constant 0 : i32
        %dma_wait3A_63 = tpu.memref_slice %arg8[%dma_wait3A_62] : memref<4992xf32, #tpu.memory_space<vmem>> -> memref<128xf32, #tpu.memory_space<vmem>>
        %dma_wait3A_64 = tpu.memref_slice %arg3[%multiple_of3A_45] : memref<6400000xf32, #tpu.memory_space<hbm>> -> memref<128xf32, #tpu.memory_space<hbm>>
        tpu.wait_dma2 semaphore(%run_scoped3A : memref<!tpu.dma_semaphore, #tpu.memory_space<semaphore_mem>>) src(%dma_wait3A_64 : memref<128xf32, #tpu.memory_space<hbm>>) dst(%dma_wait3A_63 : memref<128xf32, #tpu.memory_space<vmem>>)
        tpu.yield
      }) : () -> ()
      %get3A_46 = arith.constant 0 : index
      %get3A_47 = tpu.vector_load %arg11[%get3A_46] {strides = array<i32>} : memref<16xi32, #tpu.memory_space<vmem>>, vector<16xi32>,
      %parallel_loop3A_48 = arith.constant 0 : i32
      %parallel_loop3A_49 = arith.constant 128 : i32
      %parallel_loop3A_50 = arith.constant 16 : i32
      %parallel_loop3A_51 = scf.for %parallel_loop3A_54 = %parallel_loop3A_48 to %parallel_loop3A_49 step %parallel_loop3A_50 iter_args(%parallel_loop3A_55 = %get3A_47) -> (vector<16xi32>)  : i32 {
        %parallel_loop3A_56 = arith.constant 0 : i32
        %parallel_loop3A_57 = arith.index_cast %parallel_loop3A_56 : i32 to index
        %parallel_loop3A_58 = arith.index_cast %parallel_loop3A_54 : i32 to index
        %parallel_loop3A_59 = tpu.vector_load %arg7[%parallel_loop3A_57, %parallel_loop3A_58] {strides = array<i32>} : memref<2x4992xi32, #tpu.memory_space<vmem>>, vector<16xi32>,
        %parallel_loop3A_60 = arith.constant 1 : i32
        %parallel_loop3A_61 = arith.index_cast %parallel_loop3A_60 : i32 to index
        %parallel_loop3A_62 = arith.index_cast %parallel_loop3A_54 : i32 to index
        %parallel_loop3A_63 = tpu.vector_load %arg7[%parallel_loop3A_61, %parallel_loop3A_62] {strides = array<i32>} : memref<2x4992xi32, #tpu.memory_space<vmem>>, vector<16xi32>,
        %parallel_loop3A_64 = arith.index_cast %parallel_loop3A_54 : i32 to index
        %parallel_loop3A_65 = tpu.vector_load %arg8[%parallel_loop3A_64] {strides = array<i32>} : memref<4992xf32, #tpu.memory_space<vmem>>, vector<16xf32>,
        tpu.vector_store_idx %arg6[%parallel_loop3A_63], %parallel_loop3A_65 {add = true} : memref<100352xf32, #tpu.memory_space<vmem>>[vector<16xi32>], vector<16xf32>,
        %parallel_loop3A_66 = arith.constant 0.000000e+00 : f32
        %parallel_loop3A_67 = vector.broadcast %parallel_loop3A_66 : f32 to vector<16xf32>
        %parallel_loop3A_68 = arith.subf %parallel_loop3A_67, %parallel_loop3A_65 : vector<16xf32>
        tpu.vector_store_idx %arg6[%parallel_loop3A_59], %parallel_loop3A_68 {add = true} : memref<100352xf32, #tpu.memory_space<vmem>>[vector<16xi32>], vector<16xf32>,
        %parallel_loop3A_69 = arith.maxsi %parallel_loop3A_59, %parallel_loop3A_63 : vector<16xi32>
        %parallel_loop3A_70 = arith.maxsi %parallel_loop3A_55, %parallel_loop3A_69 : vector<16xi32>
        scf.yield %parallel_loop3A_70 : vector<16xi32>
      } {sc.loop_unroll_factor = 8 : i64, sc.parallel_access}
      %swap3A_52 = arith.constant 0 : index
      %swap3A_53 = tpu.vector_load %arg11[%swap3A_52] {strides = array<i32>} : memref<16xi32, #tpu.memory_space<vmem>>, vector<16xi32>,
      tpu.vector_store %arg11[%swap3A_52], %parallel_loop3A_51 {strides = array<i32>} : memref<16xi32, #tpu.memory_space<vmem>>, vector<16xi32>,
    } else {
    }
    "tpu.region"() ({
      %run_scoped3A = tpu.sem_alloc : memref<!tpu.dma_semaphore, #tpu.memory_space<semaphore_mem>>
      %dma_start3A_41 = arith.constant 0 : i32
      %dma_start3A_42 = tpu.memref_slice %arg4[%add3A, %dma_start3A_41] : memref<32x100352xf32, #tpu.memory_space<hbm>> -> memref<1x100352xf32, #tpu.memory_space<hbm>>
      %dma_start3A_43 = tpu.memref_squeeze %dma_start3A_42 : memref<1x100352xf32, #tpu.memory_space<hbm>> -> memref<100352xf32, #tpu.memory_space<hbm>>
      %dma_start3A_44 = arith.constant 0 : i32
      %dma_start3A_45 = tpu.memref_slice %arg4[%add3A, %dma_start3A_44] : memref<32x100352xf32, #tpu.memory_space<hbm>> -> memref<1x100352xf32, #tpu.memory_space<hbm>>
      %dma_start3A_46 = tpu.memref_squeeze %dma_start3A_45 : memref<1x100352xf32, #tpu.memory_space<hbm>> -> memref<100352xf32, #tpu.memory_space<hbm>>
      tpu.enqueue_dma source(%arg6 : memref<100352xf32, #tpu.memory_space<vmem>>) target(%dma_start3A_46 : memref<100352xf32, #tpu.memory_space<hbm>>) target_semaphore(%run_scoped3A : memref<!tpu.dma_semaphore, #tpu.memory_space<semaphore_mem>>)
      %dma_wait3A = arith.constant 0 : i32
      %dma_wait3A_47 = tpu.memref_slice %arg4[%add3A, %dma_wait3A] : memref<32x100352xf32, #tpu.memory_space<hbm>> -> memref<1x100352xf32, #tpu.memory_space<hbm>>
      %dma_wait3A_48 = tpu.memref_squeeze %dma_wait3A_47 : memref<1x100352xf32, #tpu.memory_space<hbm>> -> memref<100352xf32, #tpu.memory_space<hbm>>
      %dma_wait3A_49 = arith.constant 0 : i32
      %dma_wait3A_50 = tpu.memref_slice %arg4[%add3A, %dma_wait3A_49] : memref<32x100352xf32, #tpu.memory_space<hbm>> -> memref<1x100352xf32, #tpu.memory_space<hbm>>
      %dma_wait3A_51 = tpu.memref_squeeze %dma_wait3A_50 : memref<1x100352xf32, #tpu.memory_space<hbm>> -> memref<100352xf32, #tpu.memory_space<hbm>>
      tpu.wait_dma2 semaphore(%run_scoped3A : memref<!tpu.dma_semaphore, #tpu.memory_space<semaphore_mem>>) src(%arg6 : memref<100352xf32, #tpu.memory_space<vmem>>) dst(%dma_wait3A_51 : memref<100352xf32, #tpu.memory_space<hbm>>)
      tpu.yield
    }) : () -> ()
    "tpu.region"() ({
      %run_scoped3A = tpu.sem_alloc : memref<!tpu.dma_semaphore, #tpu.memory_space<semaphore_mem>>
      %dma_start3A_41 = arith.constant 0 : i32
      %dma_start3A_42 = tpu.memref_slice %arg5[%add3A, %dma_start3A_41] : memref<32x16xi32, #tpu.memory_space<hbm>> -> memref<1x16xi32, #tpu.memory_space<hbm>>
      %dma_start3A_43 = tpu.memref_squeeze %dma_start3A_42 : memref<1x16xi32, #tpu.memory_space<hbm>> -> memref<16xi32, #tpu.memory_space<hbm>>
      %dma_start3A_44 = arith.constant 0 : i32
      %dma_start3A_45 = tpu.memref_slice %arg5[%add3A, %dma_start3A_44] : memref<32x16xi32, #tpu.memory_space<hbm>> -> memref<1x16xi32, #tpu.memory_space<hbm>>
      %dma_start3A_46 = tpu.memref_squeeze %dma_start3A_45 : memref<1x16xi32, #tpu.memory_space<hbm>> -> memref<16xi32, #tpu.memory_space<hbm>>
      tpu.enqueue_dma source(%arg11 : memref<16xi32, #tpu.memory_space<vmem>>) target(%dma_start3A_46 : memref<16xi32, #tpu.memory_space<hbm>>) target_semaphore(%run_scoped3A : memref<!tpu.dma_semaphore, #tpu.memory_space<semaphore_mem>>)
      %dma_wait3A = arith.constant 0 : i32
      %dma_wait3A_47 = tpu.memref_slice %arg5[%add3A, %dma_wait3A] : memref<32x16xi32, #tpu.memory_space<hbm>> -> memref<1x16xi32, #tpu.memory_space<hbm>>
      %dma_wait3A_48 = tpu.memref_squeeze %dma_wait3A_47 : memref<1x16xi32, #tpu.memory_space<hbm>> -> memref<16xi32, #tpu.memory_space<hbm>>
      %dma_wait3A_49 = arith.constant 0 : i32
      %dma_wait3A_50 = tpu.memref_slice %arg5[%add3A, %dma_wait3A_49] : memref<32x16xi32, #tpu.memory_space<hbm>> -> memref<1x16xi32, #tpu.memory_space<hbm>>
      %dma_wait3A_51 = tpu.memref_squeeze %dma_wait3A_50 : memref<1x16xi32, #tpu.memory_space<hbm>> -> memref<16xi32, #tpu.memory_space<hbm>>
      tpu.wait_dma2 semaphore(%run_scoped3A : memref<!tpu.dma_semaphore, #tpu.memory_space<semaphore_mem>>) src(%arg11 : memref<16xi32, #tpu.memory_space<vmem>>) dst(%dma_wait3A_51 : memref<16xi32, #tpu.memory_space<hbm>>)
      tpu.yield
    }) : () -> ()
    return
  }
}

module attributes {stable_mosaic.version = 14 : i64} {
  func.func @body(%arg0: memref<25088x128xf32, #tpu.memory_space<vmem>>, %arg1: memref<4x128xi32, #tpu.memory_space<vmem>>, %arg2: memref<1x1xf32, #tpu.memory_space<smem>>) attributes {dimension_semantics = [], scalar_prefetch = 0 : i64, scratch_operands = 0 : i64, tpu.core_type = #tpu.core_type<tc>} {
    %get3A = arith.constant 0 : index
    %get3A_0 = arith.constant 0 : index
    %get3A_1 = vector.load %arg0[%get3A, %get3A_0] : memref<25088x128xf32, #tpu.memory_space<vmem>>, vector<25088x128xf32>
    %slice3A = vector.extract_strided_slice %get3A_1 {offsets = [0, 0], sizes = [784, 128], strides = [1, 1]} : vector<25088x128xf32> to vector<784x128xf32>
    %slice3A_2 = vector.extract_strided_slice %get3A_1 {offsets = [784, 0], sizes = [784, 128], strides = [1, 1]} : vector<25088x128xf32> to vector<784x128xf32>
    %add3A = arith.addf %slice3A, %slice3A_2 : vector<784x128xf32>
    %slice3A_3 = vector.extract_strided_slice %get3A_1 {offsets = [1568, 0], sizes = [784, 128], strides = [1, 1]} : vector<25088x128xf32> to vector<784x128xf32>
    %add3A_4 = arith.addf %add3A, %slice3A_3 : vector<784x128xf32>
    %slice3A_5 = vector.extract_strided_slice %get3A_1 {offsets = [2352, 0], sizes = [784, 128], strides = [1, 1]} : vector<25088x128xf32> to vector<784x128xf32>
    %add3A_6 = arith.addf %add3A_4, %slice3A_5 : vector<784x128xf32>
    %slice3A_7 = vector.extract_strided_slice %get3A_1 {offsets = [3136, 0], sizes = [784, 128], strides = [1, 1]} : vector<25088x128xf32> to vector<784x128xf32>
    %add3A_8 = arith.addf %add3A_6, %slice3A_7 : vector<784x128xf32>
    %slice3A_9 = vector.extract_strided_slice %get3A_1 {offsets = [3920, 0], sizes = [784, 128], strides = [1, 1]} : vector<25088x128xf32> to vector<784x128xf32>
    %add3A_10 = arith.addf %add3A_8, %slice3A_9 : vector<784x128xf32>
    %slice3A_11 = vector.extract_strided_slice %get3A_1 {offsets = [4704, 0], sizes = [784, 128], strides = [1, 1]} : vector<25088x128xf32> to vector<784x128xf32>
    %add3A_12 = arith.addf %add3A_10, %slice3A_11 : vector<784x128xf32>
    %slice3A_13 = vector.extract_strided_slice %get3A_1 {offsets = [5488, 0], sizes = [784, 128], strides = [1, 1]} : vector<25088x128xf32> to vector<784x128xf32>
    %add3A_14 = arith.addf %add3A_12, %slice3A_13 : vector<784x128xf32>
    %slice3A_15 = vector.extract_strided_slice %get3A_1 {offsets = [6272, 0], sizes = [784, 128], strides = [1, 1]} : vector<25088x128xf32> to vector<784x128xf32>
    %add3A_16 = arith.addf %add3A_14, %slice3A_15 : vector<784x128xf32>
    %slice3A_17 = vector.extract_strided_slice %get3A_1 {offsets = [7056, 0], sizes = [784, 128], strides = [1, 1]} : vector<25088x128xf32> to vector<784x128xf32>
    %add3A_18 = arith.addf %add3A_16, %slice3A_17 : vector<784x128xf32>
    %slice3A_19 = vector.extract_strided_slice %get3A_1 {offsets = [7840, 0], sizes = [784, 128], strides = [1, 1]} : vector<25088x128xf32> to vector<784x128xf32>
    %add3A_20 = arith.addf %add3A_18, %slice3A_19 : vector<784x128xf32>
    %slice3A_21 = vector.extract_strided_slice %get3A_1 {offsets = [8624, 0], sizes = [784, 128], strides = [1, 1]} : vector<25088x128xf32> to vector<784x128xf32>
    %add3A_22 = arith.addf %add3A_20, %slice3A_21 : vector<784x128xf32>
    %slice3A_23 = vector.extract_strided_slice %get3A_1 {offsets = [9408, 0], sizes = [784, 128], strides = [1, 1]} : vector<25088x128xf32> to vector<784x128xf32>
    %add3A_24 = arith.addf %add3A_22, %slice3A_23 : vector<784x128xf32>
    %slice3A_25 = vector.extract_strided_slice %get3A_1 {offsets = [10192, 0], sizes = [784, 128], strides = [1, 1]} : vector<25088x128xf32> to vector<784x128xf32>
    %add3A_26 = arith.addf %add3A_24, %slice3A_25 : vector<784x128xf32>
    %slice3A_27 = vector.extract_strided_slice %get3A_1 {offsets = [10976, 0], sizes = [784, 128], strides = [1, 1]} : vector<25088x128xf32> to vector<784x128xf32>
    %add3A_28 = arith.addf %add3A_26, %slice3A_27 : vector<784x128xf32>
    %slice3A_29 = vector.extract_strided_slice %get3A_1 {offsets = [11760, 0], sizes = [784, 128], strides = [1, 1]} : vector<25088x128xf32> to vector<784x128xf32>
    %add3A_30 = arith.addf %add3A_28, %slice3A_29 : vector<784x128xf32>
    %slice3A_31 = vector.extract_strided_slice %get3A_1 {offsets = [12544, 0], sizes = [784, 128], strides = [1, 1]} : vector<25088x128xf32> to vector<784x128xf32>
    %add3A_32 = arith.addf %add3A_30, %slice3A_31 : vector<784x128xf32>
    %slice3A_33 = vector.extract_strided_slice %get3A_1 {offsets = [13328, 0], sizes = [784, 128], strides = [1, 1]} : vector<25088x128xf32> to vector<784x128xf32>
    %add3A_34 = arith.addf %add3A_32, %slice3A_33 : vector<784x128xf32>
    %slice3A_35 = vector.extract_strided_slice %get3A_1 {offsets = [14112, 0], sizes = [784, 128], strides = [1, 1]} : vector<25088x128xf32> to vector<784x128xf32>
    %add3A_36 = arith.addf %add3A_34, %slice3A_35 : vector<784x128xf32>
    %slice3A_37 = vector.extract_strided_slice %get3A_1 {offsets = [14896, 0], sizes = [784, 128], strides = [1, 1]} : vector<25088x128xf32> to vector<784x128xf32>
    %add3A_38 = arith.addf %add3A_36, %slice3A_37 : vector<784x128xf32>
    %slice3A_39 = vector.extract_strided_slice %get3A_1 {offsets = [15680, 0], sizes = [784, 128], strides = [1, 1]} : vector<25088x128xf32> to vector<784x128xf32>
    %add3A_40 = arith.addf %add3A_38, %slice3A_39 : vector<784x128xf32>
    %slice3A_41 = vector.extract_strided_slice %get3A_1 {offsets = [16464, 0], sizes = [784, 128], strides = [1, 1]} : vector<25088x128xf32> to vector<784x128xf32>
    %add3A_42 = arith.addf %add3A_40, %slice3A_41 : vector<784x128xf32>
    %slice3A_43 = vector.extract_strided_slice %get3A_1 {offsets = [17248, 0], sizes = [784, 128], strides = [1, 1]} : vector<25088x128xf32> to vector<784x128xf32>
    %add3A_44 = arith.addf %add3A_42, %slice3A_43 : vector<784x128xf32>
    %slice3A_45 = vector.extract_strided_slice %get3A_1 {offsets = [18032, 0], sizes = [784, 128], strides = [1, 1]} : vector<25088x128xf32> to vector<784x128xf32>
    %add3A_46 = arith.addf %add3A_44, %slice3A_45 : vector<784x128xf32>
    %slice3A_47 = vector.extract_strided_slice %get3A_1 {offsets = [18816, 0], sizes = [784, 128], strides = [1, 1]} : vector<25088x128xf32> to vector<784x128xf32>
    %add3A_48 = arith.addf %add3A_46, %slice3A_47 : vector<784x128xf32>
    %slice3A_49 = vector.extract_strided_slice %get3A_1 {offsets = [19600, 0], sizes = [784, 128], strides = [1, 1]} : vector<25088x128xf32> to vector<784x128xf32>
    %add3A_50 = arith.addf %add3A_48, %slice3A_49 : vector<784x128xf32>
    %slice3A_51 = vector.extract_strided_slice %get3A_1 {offsets = [20384, 0], sizes = [784, 128], strides = [1, 1]} : vector<25088x128xf32> to vector<784x128xf32>
    %add3A_52 = arith.addf %add3A_50, %slice3A_51 : vector<784x128xf32>
    %slice3A_53 = vector.extract_strided_slice %get3A_1 {offsets = [21168, 0], sizes = [784, 128], strides = [1, 1]} : vector<25088x128xf32> to vector<784x128xf32>
    %add3A_54 = arith.addf %add3A_52, %slice3A_53 : vector<784x128xf32>
    %slice3A_55 = vector.extract_strided_slice %get3A_1 {offsets = [21952, 0], sizes = [784, 128], strides = [1, 1]} : vector<25088x128xf32> to vector<784x128xf32>
    %add3A_56 = arith.addf %add3A_54, %slice3A_55 : vector<784x128xf32>
    %slice3A_57 = vector.extract_strided_slice %get3A_1 {offsets = [22736, 0], sizes = [784, 128], strides = [1, 1]} : vector<25088x128xf32> to vector<784x128xf32>
    %add3A_58 = arith.addf %add3A_56, %slice3A_57 : vector<784x128xf32>
    %slice3A_59 = vector.extract_strided_slice %get3A_1 {offsets = [23520, 0], sizes = [784, 128], strides = [1, 1]} : vector<25088x128xf32> to vector<784x128xf32>
    %add3A_60 = arith.addf %add3A_58, %slice3A_59 : vector<784x128xf32>
    %slice3A_61 = vector.extract_strided_slice %get3A_1 {offsets = [24304, 0], sizes = [784, 128], strides = [1, 1]} : vector<25088x128xf32> to vector<784x128xf32>
    %add3A_62 = arith.addf %add3A_60, %slice3A_61 : vector<784x128xf32>
    %get3A_63 = arith.constant 0 : index
    %get3A_64 = arith.constant 0 : index
    %get3A_65 = vector.load %arg1[%get3A_63, %get3A_64] : memref<4x128xi32, #tpu.memory_space<vmem>>, vector<4x128xi32>
    %reduce_max3A = vector.shape_cast %get3A_65 : vector<4x128xi32> to vector<1x4x128xi32>
    %reduce_max3A_66 = arith.constant dense<-2147483648> : vector<1xi32>
    %reduce_max3A_67 = vector.multi_reduction <maxsi>, %reduce_max3A, %reduce_max3A_66 [1, 2] : vector<1x4x128xi32> to vector<1xi32>
    %reduce_max3A_68 = vector.shape_cast %reduce_max3A_67 : vector<1xi32> to vector<1x1x1xi32>
    %reduce_max3A_69 = vector.extract %reduce_max3A_68[0, 0, 0] : i32 from vector<1x1x1xi32>
    %abs3A = math.absf %add3A_62 : vector<784x128xf32>
    %reduce_sum3A = vector.shape_cast %abs3A : vector<784x128xf32> to vector<1x784x128xf32>
    %reduce_sum3A_70 = arith.constant dense<0.000000e+00> : vector<1xf32>
    %reduce_sum3A_71 = vector.multi_reduction <add>, %reduce_sum3A, %reduce_sum3A_70 [1, 2] : vector<1x784x128xf32> to vector<1xf32>
    %reduce_sum3A_72 = vector.shape_cast %reduce_sum3A_71 : vector<1xf32> to vector<1x1x1xf32>
    %reduce_sum3A_73 = vector.extract %reduce_sum3A_72[0, 0, 0] : f32 from vector<1x1x1xf32>
    %convert_element_type3A = arith.sitofp %reduce_max3A_69 : i32 to f32
    %add3A_74 = arith.constant 1.000000e+00 : f32
    %add3A_75 = arith.addf %convert_element_type3A, %add3A_74 : f32
    %div3A = arith.divf %reduce_sum3A_73, %add3A_75 : f32
    %swap3A = arith.constant 0 : index
    %swap3A_76 = arith.constant 0 : index
    %swap3A_77 = memref.load %arg2[%swap3A, %swap3A_76] : memref<1x1xf32, #tpu.memory_space<smem>>
    memref.store %div3A, %arg2[%swap3A, %swap3A_76] : memref<1x1xf32, #tpu.memory_space<smem>>
    return
  }
}

</mosaic_0001>

<sc_bundles>
// kernel: kernel.4.cloned.1.call-start
scs
__scs_entry_jumppad:
0x0: {  	(pc) =	sbr.rel $0x88, $3  }
0x1: {  	(tag) =	ssettag $0x0;
	lr =	simm.s32 $0x1  }
0x2: {  	[smem:$0x3F9F] =	sst lr;
	_ =	strace $0xD0000000  }
0x3: {  	_ = 	snop  }
0x4: {  	_ = 	snop  }
0x5: {  	_ = 	snop  }
0x6: {  	_ = 	snop  }
0x7: {  	_ = 	snop  }
__scs_overlays_trampoline_lowered:
0x8: {  	[smem:$0x3FAE] =	sst s0  }
0x9: {  	[smem:$0x3FAF] =	sst s1  }
0xa: {  	[smem:$0x3FB0] =	sst s2  }
0xb: {  	[smem:$0x3FB1] =	sst s3  }
0xc: {  	[smem:$0x3FB2] =	sst s4  }
0xd: {  	[smem:$0x3FB3] =	sst s5  }
0xe: {  	[smem:$0x3FB4] =	sst s6  }
0xf: {  	[smem:$0x3FB5] =	sst s7  }
0x10: {  	[smem:$0x3FB6] =	sst s8  }
0x11: {  	[smem:$0x3FB7] =	sst s9;
	s0 =	simm.s32 @!p0 $0x0  }
0x12: {  	s1 =	sld [smem:$0x3F9D];
	s0 =	simm.s32 @p0 $0x1  }
0x13: {  	[smem:$0x3FB8] =	sst s0;
	s0 =	simm.s32 @!p1 $0x0  }
0x14: {  	s2 =	sld [smem:$0x3F9C];
	s0 =	simm.s32 @p1 $0x1  }
0x15: {  	[smem:$0x3FB9] =	sst s0;
	s0 =	simm.s32 @!p2 $0x0  }
0x16: {  	s3 =	sld [smem:$0x3FDB];
	s0 =	simm.s32 @p2 $0x1  }
0x17: {  	s4 =	simm.s32 $0x1BF5;
	[smem:$0x3FBB] =	sst s0  }
0x18: {  	s0 =	sld [smem:$0x3F9E];
	_ =	swait.ge [sflag:s4], $0x0  }
0x19: {  	s7 =	sld [smem:$0x3F9F]  }
0x1a: {  	s8 =	sadd.s32 $0xFFFFE003, lr  }
0x1b: {  	s9 =	sadd.s32 $0xFFFFFEF7, lr;
	s5 =	simm.s32 $0xFFFFFFFF;
	p2 =	slt.u32 s8, $0xFFFFF086  }
0x1c: {  	p1 =	slt.u32 s9, $0xF7A;
	s5 =	simm.s32 @!p2 $0x0  }
0x1d: {  	s5 =	simm.s32 @p1 $0x1;
	p0 =	seq.s32 s7, s2  }
0x1e: {  	s7 =	smul.u32 @!p0 $0xF7A, s2;
	p2 =	seq.s32 @!p0 s5, $0x0  }
0x1f: {  	s9 =	smul.u32 $0xF7A, s1;
	s8 =	simm.s32 @!p0 $0x1BF5;
	p2 =	por !p2, p0  }
0x20: {  	[sflag:s8] =	ssyncset.s32 @!p0 $0xFFFFF086;
	s6 =	sadd.s32 @!p0 s3, s7;
	s7 =	simm.s32 @!p0 $0x108  }
0x21: {  	s3 =	sadd.s32 s3, s9;
	s6 =	sadd.s32 @!p0 $0x88, s6;
	s7 =	simm.s32 @p2 $0x1082  }
0x22: {  	[simem:s7], [sflag:s8] =	dma.local @!p0 [hbm:s6], $0xF7A  }
0x23: {  	s9 =	sor.u32 $0xD0000000, s2;
	s6 =	simm.s32 $0x108;
	_ =	swait.ge @!p0 [sflag:s8], $0x0  }
0x24: {  	s3 =	sadd.s32 $0x88, s3;
	s6 =	simm.s32 @!p1 $0x1082;
	[sflag:s4] =	ssyncset.s32 $0xFFFFF086  }
0x25: {  	[simem:s6], [sflag:s4] =	dma.local [hbm:s3], $0xF7A  }
0x26: {  	[smem:$0x3F9F] =	sst s1;
	(tag) =	ssettag s2;
	_ =	strace s9  }
0x27: {  	s1 =	sld [smem:$0x3FAF]  }
0x28: {  	s2 =	sld [smem:$0x3FB0]  }
0x29: {  	s4 =	sld [smem:$0x3FB2]  }
0x2a: {  	p0 =	seq.s32 s5, $0x0;
	s5 =	sld [smem:$0x3FB3]  }
0x2b: {  	s6 =	sld [smem:$0x3FB4]  }
0x2c: {  	s7 =	sld [smem:$0x3FB5]  }
0x2d: {  	s3 =	simm.s32 $0x108;
	s8 =	sld [smem:$0x3FB6]  }
0x2e: {  	s3 =	simm.s32 @!p0 $0x1082;
	s9 =	sld [smem:$0x3FB7]  }
0x2f: {  	lr =	sadd.s32 s0, s3;
	s0 =	sld [smem:$0x3FAE]  }
0x30: {  	s3 =	sld [smem:$0x3FB1]  }
0x31: {  	[smem:$0x3FBA] =	sst s10  }
0x32: {  	s10 =	sld [smem:$0x3FB8];
	_ =	sdelay $0x3  }
0x33: {  	p0 =	seq.s32 s10, $0x1;
	s10 =	sld [smem:$0x3FBA];
	_ =	sdelay $0x3  }
0x34: {  	[smem:$0x3FBA] =	sst s10  }
0x35: {  	s10 =	sld [smem:$0x3FB9];
	_ =	sdelay $0x3  }
0x36: {  	p1 =	seq.s32 s10, $0x1;
	s10 =	sld [smem:$0x3FBA];
	_ =	sdelay $0x3  }
0x37: {  	[smem:$0x3FBA] =	sst s10  }
0x38: {  	s10 =	sld [smem:$0x3FBB]  }
0x39: {  	_ = 	snop;
	(pc) =	sbr.ind lr, $3  }
0x3a: {  	_ = 	snop  }
0x3b: {  	_ = 	snop  }
0x3c: {  	p2 =	seq.s32 s10, $0x1;
	s10 =	sld [smem:$0x3FBA]  }
0x3d: {  	_ =	shalt  }
0x3e: {  	_ =	shalt  }
0x3f: {  	_ =	shalt  }
0x40: {  	_ =	shalt  }
0x41: {  	_ =	shalt  }
0x42: {  	_ =	shalt  }
0x43: {  	_ =	shalt  }
0x44: {  	_ =	shalt  }
0x45: {  	_ =	shalt  }
0x46: {  	_ =	shalt  }
0x47: {  	_ =	shalt  }
0x48: {  	_ =	shalt  }
0x49: {  	_ =	shalt  }
0x4a: {  	_ =	shalt  }
0x4b: {  	_ =	shalt  }
0x4c: {  	_ =	shalt  }
0x4d: {  	_ =	shalt  }
0x4e: {  	_ =	shalt  }
0x4f: {  	_ =	shalt  }
0x50: {  	_ =	shalt  }
0x51: {  	_ =	shalt  }
0x52: {  	_ =	shalt  }
0x53: {  	_ =	shalt  }
0x54: {  	_ =	shalt  }
0x55: {  	_ =	shalt  }
0x56: {  	_ =	shalt  }
0x57: {  	_ =	shalt  }
0x58: {  	_ =	shalt  }
0x59: {  	_ =	shalt  }
0x5a: {  	_ =	shalt  }
0x5b: {  	_ =	shalt  }
0x5c: {  	_ =	shalt  }
0x5d: {  	_ =	shalt  }
0x5e: {  	_ =	shalt  }
0x5f: {  	_ =	shalt  }
0x60: {  	_ =	shalt  }
0x61: {  	_ =	shalt  }
0x62: {  	_ =	shalt  }
0x63: {  	_ =	shalt  }
0x64: {  	_ =	shalt  }
0x65: {  	_ =	shalt  }
0x66: {  	_ =	shalt  }
0x67: {  	_ =	shalt  }
0x68: {  	_ =	shalt  }
0x69: {  	_ =	shalt  }
0x6a: {  	_ =	shalt  }
0x6b: {  	_ =	shalt  }
0x6c: {  	_ =	shalt  }
0x6d: {  	_ =	shalt  }
0x6e: {  	_ =	shalt  }
0x6f: {  	_ =	shalt  }
0x70: {  	_ =	shalt  }
0x71: {  	_ =	shalt  }
0x72: {  	_ =	shalt  }
0x73: {  	_ =	shalt  }
0x74: {  	_ =	shalt  }
0x75: {  	_ =	shalt  }
0x76: {  	_ =	shalt  }
0x77: {  	_ =	shalt  }
0x78: {  	_ =	shalt  }
0x79: {  	_ =	shalt  }
0x7a: {  	_ =	shalt  }
0x7b: {  	_ =	shalt  }
0x7c: {  	_ =	shalt  }
0x7d: {  	_ =	shalt  }
0x7e: {  	_ =	shalt  }
0x7f: {  	_ =	shalt  }
0x80: {  	_ =	shalt  }
0x81: {  	_ =	shalt  }
0x82: {  	_ =	shalt  }
0x83: {  	_ =	shalt  }
0x84: {  	_ =	shalt  }
0x85: {  	_ =	shalt  }
0x86: {  	_ =	shalt  }
0x87: {  	_ =	shalt  }
.Lfunc_end0:
.L_simem_size_0:
called_computation_lowered:
.L_overlay_start_0:
0x88: {  	s2 =	sld [smem:$0x3FD9]  }
0x89: {  	s3 =	sld [smem:$0x3FFE];
	_ =	sdelay $0x1  }
0x8a: {  	s1 =	srdreg.scid  }
0x8b: {  	s0 =	sand.u32 $0x1, s1  }
0x8c: {  	s17 =	sshll.u32 s0, $0xA;
	s2 =	sadd.s32 s3, s2  }
0x8d: {  	s2 =	sadd.s32 s2, s17  }
0x8e: {  	[smem:$0x3FC6] =	sst s2  }
0x8f: {  	_ = 	snop  }
0x90: {  	s2 =	sld [smem:$0x3FC9]  }
0x91: {  	s18 =	sld [smem:$0x3FC8];
	(tm) =	ssettm $0x1  }
0x92: {  	s4 =	sld [smem:$0x3FFB];
	_ =	sdelay $0x3  }
0x93: {  	_ =	strace s4  }
0x94: {  	s4 =	sld [smem:$0x3FFC];
	_ =	sdelay $0x3  }
0x95: {  	_ =	strace s4  }
0x96: {  	s4 =	sld [smem:$0x3FFD];
	_ =	sdelay $0x3  }
0x97: {  	_ =	strace s4  }
0x98: {  	_ =	strace $0x8FFFFFFF  }
0x99: {  	s19 =	sld [smem:$0x3FDB];
	_ =	sdelay $0x1  }
0x9a: {  	s5 =	simm.s32 $_scs_section_size  }
0x9b: {  	s6 =	simm.s32 $_size__tile_overlayer_lowered;
	s7 =	simm.s32 $_tile_overlayer_lowered  }
0x9c: {  	s22 =	simm.s32 $0x1BFF;
	s21 =	sshll.u32 s7, $0x1;
	s4 =	sadd.s32 s5, s19  }
0x9d: {  	s8 =	simm.s32 $0x0;
	s20 =	sshll.u32 s6, $0x1;
	s6 =	sadd.s32 s21, s4  }
0x9e: {  	[timem:s8], [sflag:s22] =	dma.local [hbm:s6], s20  }
0x9f: {  	_ =	swait.ge [sflag:s22], s20  }
0xa0: {  	s5 =	ssub.s32 $0x0, s20;
	[sflag:s22] =	ssyncset.done $0x0  }
0xa1: {  	[sflag:s22] =	ssyncadd.s32 s5;
	_ =	sdelay $0x1  }
0xa2: {  	s23 =	simm.s32 $0x1B8B  }
0xa3: {  	_ =	swait.ge [sflag:s23], $0x1  }
0xa4: {  	[sflag:s23] =	ssyncset.done $0x0  }
0xa5: {  	s25 =	simm.s32 $0x1B8E;
	s24 =	sld [smem:$0x3FFE];
	[sflag:s23] =	ssyncadd.s32 $0xFFFFFFFF  }
0xa6: {  	s26 =	simm.s32 $execute0_lowered;
	[smem:$0x3FD2] =	sst s25  }
0xa7: {  	s6 =	sshll.u32 s26, $0x1;
	_ =	strace $0x80000046;
	[dreg:$0x1] =	wrdreg $0xFFFFFFFF  }
0xa8: {  	s28 =	simm.s32 $_size_execute0_lowered;
	s4 =	sadd.s32 s4, s6;
	[dreg:$0x0] =	wrdreg $0x0  }
0xa9: {  	s6 =	sshll.u32 s28, $0x1;
	[dreg:$0x2] =	wrdreg s4  }
0xaa: {  	[dreg:$0x3] =	wrdreg s6  }
0xab: {  	[dreg:$0x4] =	wrdreg $0xC0  }
0xac: {  	_ =	task [dreg:s8], $0x5FFFF  }
0xad: {  	[dreg:$0x1] =	wrdreg $0xFFFFFFFF  }
0xae: {  	[dreg:$0x0] =	wrdreg $0x60  }
0xaf: {  	[dreg:$0x2] =	wrdreg s2  }
0xb0: {  	[dreg:$0x3] =	wrdreg s18  }
0xb1: {  	[dreg:$0x4] =	wrdreg s24  }
0xb2: {  	[dreg:$0x5] =	wrdreg $0x9  }
0xb3: {  	_ =	task.clear_ibuf [dreg:s8], $0x6FFFF;
	_ =	strace $0x90000046  }
0xb4: {  	s29 =	simm.s32 $0x9;
	_ =	strace $0x80000048  }
0xb5: {  	_ =	swait.ge [sflag:s29], $0x1  }
0xb6: {  	[sflag:s29] =	ssyncadd.s32 $0xFFFFFFFF  }
0xb7: {  	_ =	strace $0x90000048  }
0xb8: {  	_ =	sfence  }
0xb9: {  	s30 =	sld [smem:$0x0];
	_ =	sdelay $0x2  }
0xba: {  	s31 =	sshll.u32 s1, $0xD;
	s1 =	sshrl.u32 s1, $0x2  }
0xbb: {  	s3 =	sand.u32 $0x4000, s31;
	s1 =	sadd.s32 s1, s30  }
0xbc: {  	s0 =	sor.u32 s3, s0;
	s1 =	sshll.u32 s1, $0x11  }
0xbd: {  	s0 =	sor.u32 s1, s0  }
0xbe: {  	s0 =	sadd.s32 $0x8F2B, s0  }
0xbf: {  	[sflag:s0] =	ssyncadd.remote.s32 $0x1  }
0xc0: {  	_ =	sfence.sel $0xFFFF  }
0xc1: {  	[dreg:$0x0] =	wrdreg $0xFFFFFFFF;
	(pc) =	sbr.abs _section_cstart, $3  }
0xc2: {  	[dreg:$0x1] =	wrdreg $0xFFFFFFFF  }
0xc3: {  	_ =	task.clear_ibuf [dreg:s8], $0x2FFFF;
	_ =	strace $0x9FFFFFFF  }
0xc4: {  	(tm) =	ssettm $0x7FFFFFFF  }
0xc5: {  	_ =	shalt  }
tec
execute0_lowered:
.L_overlay_start_1:
0x0: {  	(tag) =	ssettag $0x1  }
0x1: {  	s0 =	srdreg.scid;
	s3 =	rddreg [dreg:$0x1]  }
0x2: {  	s13 =	stileid.u32;
	s7 =	rddreg [dreg:$0x2];
	s18 =	simm.s32 $0x18800  }
0x3: {  	s19 =	simm.s32 $0x1AF00;
	s20 =	simm.s32 $0x1C280;
	s28 =	simm.s32 $0x1FD00  }
0x4: {  	s29 =	simm.s32 $0x0;
	s0 =	sand.u32 $0x1, s0;
	s4 =	sshll.u32 s13, $0x7  }
0x5: {  	s31 =	sor.u32 $0xC340, s13;
	s1 =	sshll.u32 s0, $0x4;
	s8 =	sand.u32 $0x380, s4  }
0x6: {  	s4 =	simm.s32 $0x0;
	s2 =	sor.u32 s13, s1;
	s1 =	rddreg [dreg:$0x0]  }
0x7: {  	s21 =	ssub.s32 $0x2, s0;
	p0 =	sne.s32 s0, $0x0;
	[smem:$0x7FF] =	sst s4  }
0x8: {  	s22 =	sshrl.u32 s21, $0x1;
	s13 =	sshll.u32 s31, $0x5;
	s10 =	smul.u32 $0x30D00, s2  }
0x9: {  	s5 =	sshrl.u32 s2, $0x3;
	_ =	strace $0x80000047;
	s2 =	smul.u32 $0xC340, s2  }
0xa: {  	s17 =	ssub.s32 s21, s22;
	s13 =	sadd.s32 s1, s13;
	s21 =	simm.s32 $0x1E980  }
0xb: {  	s22 =	simm.s32 $0x1;
	s6 =	smul.u32 $0xC4000, s5;
	s5 =	sshll.u32 s5, $0xA  }
0xc: {  	s17 =	smax.u32 s17, $0x1;
	s5 =	sor.u32 s8, s5;
	s23 =	sshrl.u32 s10, $0x3  }
0xd: {  	s24 =	sadd.s32 $0x1380, s10;
	s12 =	sadd.s32 $0x30C00, s10;
	s9 =	sadd.s32 $0x2700, s10  }
0xe: {  	s10 =	sadd.s32 $0x3A80, s10;
	s6 =	sor.u32 s8, s6;
	s5 =	sshrl.u32 s5, $0x3  }
0xf: {  	s25 =	sshrl.u32 s24, $0x2;
	s26 =	sshrl.u32 s24, $0x3;
	s30 =	sshrl.u32 s12, $0x2  }
0x10: {  	s12 =	sshrl.u32 s12, $0x3;
	s24 =	simm.s32 $0x3;
	s6 =	sshrl.u32 s6, $0x3  }
.Ltmp0:
0x11: {  	s16 =	sadd.s32 s5, s7;
	s5 =	sadd.s32 s1, s2;
	(pc) =	sbr.rel .LBB2_1-.Ltmp0, $4  }
0x12: {  	s8 =	sadd.s32 s3, s26;
	s11 =	sadd.s32 s1, s30;
	s2 =	sshll.u32 s31, $0x4  }
0x13: {  	s12 =	sadd.s32 s3, s12;
	s26 =	simm.s32 $0x400;
	s15 =	sadd.s32 s6, s7  }
0x14: {  	s6 =	sadd.s32 s3, s23;
	s7 =	sadd.s32 s1, s25;
	s14 =	sadd.s32 s3, s2  }
0x15: {  	v0 =	vimm.f32 $0.0e+00;
	v1 =	vimm.s32 $0x0;
	s16 =	sadd.s32 $0x62A00, s16;
	s23 =	simm.s32 $0x2;
	s15 =	sadd.s32 $0xA00, s15  }
.LBB2_14:
0x16: {  	s0 =	simm.s32 $0x80  }
0x17: {  	[hbm4b:s15+s0] =	stream.strided.scatter [tilespmem:s4], [sflag:$0x3], $0x18800, s26, s0, $0x38;
	[tilespmem:$0x1FD80] =	vst v63  }
0x18: {  	s29 =	sadd.s32 $0x1, s29;
	_ =	swait.ge [sflag:s24], $0x18800  }
0x19: {  	p1 =	sne.s32 s29, s17;
	[sflag:s24] =	ssyncset.done $0x0  }
.Ltmp1:
0x1a: {  	[sflag:s24] =	ssyncadd.s32 $0xFFFE7800;
	(pc) =	sbr.rel @!p1 .LBB2_15-.Ltmp1, $4  }
0x1b: {  	[hbm4b:s16+s4] =	stream.linear.scatter [tilespmem:s28], [sflag:$0x3], $0x80, $0x38;
	[tilespmem:$0x1FD80] =	vst v63  }
0x1c: {  	_ =	swait.ge [sflag:s24], $0x80  }
0x1d: {  	[sflag:s24] =	ssyncset.done $0x0  }
0x1e: {  	[sflag:s24] =	ssyncadd.s32 $0xFFFFFF80  }
.LBB2_1:
0x1f: {  	[tilespmem:s18], [sflag:$0x1] =	stream.linear.gather [hbm4b:s5+s4], $0x2700, $0x38;
	[tilespmem:$0x1FD80] =	vst v63  }
0x20: {  	_ = 	snop  }
0x21: {  	[tilespmem:s19], [sflag:$0x1] =	stream.linear.gather [hbm4b:s6+s4], $0x1380, $0x38;
	[tilespmem:$0x1FD80] =	vst v63  }
0x22: {  	_ = 	snop  }
0x23: {  	[tilespmem:s20], [sflag:$0x2] =	stream.linear.gather [hbm4b:s7+s4], $0x2700, $0x38;
	[tilespmem:$0x1FD80] =	vst v63  }
0x24: {  	s0 =	simm.s32 $0x40  }
0x25: {  	[tilespmem:s21], [sflag:$0x2] =	stream.linear.gather [hbm4b:s8+s4], $0x1380, $0x38;
	[tilespmem:$0x1FD80] =	vst v63  }
0x26: {  	[tilespmem:s0+$0xFFFFFFC0] =	vst v0  }
0x27: {  	[tilespmem:s0+$0x30] =	vst v0  }
0x28: {  	[tilespmem:s0+$0x20] =	vst v0  }
0x29: {  	[tilespmem:s0+$0x10] =	vst v0  }
0x2a: {  	[tilespmem:s0+$0x0] =	vst v0  }
0x2b: {  	[tilespmem:s0+$0xFFFFFFF0] =	vst v0  }
0x2c: {  	s2 =	simm.s32 $0x0;
	[tilespmem:s0+$0xFFFFFFE0] =	vst v0  }
.LBB2_2:
0x2d: {  	s2 =	sadd.s32 $0x80, s2;
	[tilespmem:s0+$0xFFFFFFD0] =	vst v0;
	s0 =	sadd.s32 $0x80, s0  }
0x2e: {  	[tilespmem:s0+$0xFFFFFFC0] =	vst v0;
	p1 =	slt.u32 s2, $0x18780  }
0x2f: {  	[tilespmem:s0+$0x30] =	vst v0  }
.Ltmp2:
0x30: {  	[tilespmem:s0+$0x20] =	vst v0;
	(pc) =	sbr.rel @p1 .LBB2_2-.Ltmp2, $4  }
0x31: {  	[tilespmem:s0+$0x10] =	vst v0  }
0x32: {  	[tilespmem:s0+$0x0] =	vst v0  }
0x33: {  	[tilespmem:s0+$0xFFFFFFF0] =	vst v0  }
0x34: {  	[tilespmem:s0+$0xFFFFFFE0] =	vst v0  }
0x35: {  	[tilespmem:s0+$0xFFFFFFD0] =	vst v0  }
0x36: {  	s30 =	simm.s32 $0x0;
	[tilespmem:$0x1FD00] =	vst v1  }
.LBB2_4:
0x37: {  	_ =	swait.ge [sflag:s22], $0x2700  }
0x38: {  	[sflag:s22] =	ssyncset.done $0x0  }
0x39: {  	[sflag:s22] =	ssyncadd.s32 $0xFFFFD900  }
0x3a: {  	_ =	swait.ge [sflag:s22], $0x1380  }
0x3b: {  	[sflag:s22] =	ssyncset.done $0x0  }
0x3c: {  	[sflag:s22] =	ssyncadd.s32 $0xFFFFEC80  }
0x3d: {  	s0 =	simm.s32 $0x1AF40;
	v2 =	vld [tilespmem:$0x1FD00]  }
0x3e: {  	v3 =	vld [tilespmem:s0+$0xFFFFFFC0]  }
0x3f: {  	v4 =	vld [tilespmem:s0+$0xFFFFFFD0]  }
0x40: {  	v5 =	vld [tilespmem:s0+$0xFFFFFFE0]  }
0x41: {  	v6 =	vld [tilespmem:s0+$0xFFFFFFF0]  }
0x42: {  	v7 =	vld [tilespmem:s0+$0x0]  }
0x43: {  	v8 =	vld [tilespmem:s0+$0x10]  }
0x44: {  	v9 =	vld [tilespmem:s0+$0x20]  }
0x45: {  	s31 =	simm.s32 $0x18880;
	v10 =	vld [tilespmem:s0+$0x30]  }
0x46: {  	v11 =	vld [tilespmem:s31+$0xFFFFFF80]  }
0x47: {  	v12 =	vld [tilespmem:s31+$0x0]  }
0x48: {  	v13 =	vld [tilespmem:s31+$0xFFFFFF90]  }
0x49: {  	v14 =	vld [tilespmem:s31+$0x10]  }
0x4a: {  	v15 =	vld [tilespmem:s31+$0xFFFFFFA0]  }
0x4b: {  	v16 =	vld [tilespmem:s31+$0x20]  }
0x4c: {  	v17 =	vld [tilespmem:s31+$0xFFFFFFB0]  }
0x4d: {  	v18 =	vld [tilespmem:s31+$0x30]  }
0x4e: {  	v19 =	vld [tilespmem:s31+$0xFFFFFFC0]  }
0x4f: {  	v20 =	vld [tilespmem:s31+$0x40]  }
0x50: {  	v21 =	vld [tilespmem:s31+$0xFFFFFFD0]  }
0x51: {  	v22 =	vld [tilespmem:s31+$0x50]  }
0x52: {  	v23 =	vld [tilespmem:s31+$0xFFFFFFE0]  }
0x53: {  	v24 =	vld [tilespmem:s31+$0x60]  }
0x54: {  	v25 =	vld [tilespmem:s31+$0xFFFFFFF0];
	vm0 =	vgt.s32 v11, v12  }
0x55: {  	v26 =	vsel vm0, v11, v12;
	[tilespmem:v12+s4+$0x0] =	vst.idx.add.f32.msk $0xffff, v3  }
0x56: {  	v27 =	vsub.f32 $0.0e+00, v3;
	vm1 =	vgt.s32 v13, v14;
	vm0 =	vgt.s32 v2, v26;
	v3 =	vld [tilespmem:s31+$0x70]  }
0x57: {  	v50 =	vsel vm1, v13, v14;
	v2 =	vsel vm0, v2, v26;
	[tilespmem:v14+s4+$0x0] =	vst.idx.add.f32.msk $0xffff, v4  }
0x58: {  	vm10 =	vgt.s32 v15, v16;
	[tilespmem:v16+s4+$0x0] =	vst.idx.add.f32.msk $0xffff, v5;
	vm0 =	vgt.s32 v2, v50  }
0x59: {  	v52 =	vsel vm10, v15, v16;
	[tilespmem:v18+s4+$0x0] =	vst.idx.add.f32.msk $0xffff, v6;
	v2 =	vsel vm0, v2, v50  }
0x5a: {  	vm11 =	vgt.s32 v17, v18;
	[tilespmem:v20+s4+$0x0] =	vst.idx.add.f32.msk $0xffff, v7;
	vm0 =	vgt.s32 v2, v52  }
0x5b: {  	v54 =	vsel vm11, v17, v18;
	[tilespmem:v22+s4+$0x0] =	vst.idx.add.f32.msk $0xffff, v8;
	v2 =	vsel vm0, v2, v52  }
0x5c: {  	v51 =	vsub.f32 $0.0e+00, v4;
	vm12 =	vgt.s32 v19, v20;
	[tilespmem:v24+s4+$0x0] =	vst.idx.add.f32.msk $0xffff, v9;
	vm0 =	vgt.s32 v2, v54  }
0x5d: {  	v53 =	vsub.f32 $0.0e+00, v5;
	v56 =	vsel vm12, v19, v20;
	[tilespmem:v11+s4+$0x0] =	vst.idx.add.f32.msk $0xffff, v27;
	v2 =	vsel vm0, v2, v54  }
0x5e: {  	v55 =	vsub.f32 $0.0e+00, v6;
	vm13 =	vgt.s32 v21, v22;
	[tilespmem:v13+s4+$0x0] =	vst.idx.add.f32.msk $0xffff, v51;
	vm0 =	vgt.s32 v2, v56  }
0x5f: {  	v57 =	vsub.f32 $0.0e+00, v7;
	v58 =	vsel vm13, v21, v22;
	[tilespmem:v15+s4+$0x0] =	vst.idx.add.f32.msk $0xffff, v53;
	v2 =	vsel vm0, v2, v56  }
0x60: {  	v59 =	vsub.f32 $0.0e+00, v8;
	vm14 =	vgt.s32 v23, v24;
	[tilespmem:v17+s4+$0x0] =	vst.idx.add.f32.msk $0xffff, v55;
	vm0 =	vgt.s32 v2, v58  }
0x61: {  	v61 =	vsub.f32 $0.0e+00, v9;
	v60 =	vsel vm14, v23, v24;
	[tilespmem:v19+s4+$0x0] =	vst.idx.add.f32.msk $0xffff, v57;
	v2 =	vsel vm0, v2, v58  }
0x62: {  	[tilespmem:v21+s4+$0x0] =	vst.idx.add.f32.msk $0xffff, v59;
	vm15 =	vgt.s32 v25, v3;
	vm0 =	vgt.s32 v2, v60  }
0x63: {  	v63 =	vsub.f32 $0.0e+00, v10;
	[tilespmem:v23+s4+$0x0] =	vst.idx.add.f32.msk $0xffff, v61;
	v62 =	vsel vm15, v25, v3;
	v2 =	vsel vm0, v2, v60  }
0x64: {  	[tilespmem:v3+s4+$0x0] =	vst.idx.add.f32.msk $0xffff, v10;
	vm0 =	vgt.s32 v2, v62  }
0x65: {  	s2 =	simm.s32 $0x0;
	s0 =	simm.s32 $0x1AFC0;
	[tilespmem:v25+s4+$0x0] =	vst.idx.add.f32.msk $0xffff, v63;
	v2 =	vsel vm0, v2, v62  }
.LBB2_5:
0x66: {  	v3 =	vld [tilespmem:s0+$0xFFFFFFC0]  }
0x67: {  	v4 =	vld [tilespmem:s0+$0xFFFFFFD0]  }
0x68: {  	v5 =	vld [tilespmem:s0+$0xFFFFFFE0]  }
0x69: {  	v6 =	vld [tilespmem:s0+$0xFFFFFFF0]  }
0x6a: {  	v7 =	vld [tilespmem:s0+$0x0]  }
0x6b: {  	v8 =	vld [tilespmem:s0+$0x10]  }
0x6c: {  	v9 =	vld [tilespmem:s0+$0x20]  }
0x6d: {  	s31 =	sadd.s32 $0x100, s31;
	v10 =	vld [tilespmem:s0+$0x30]  }
0x6e: {  	v11 =	vld [tilespmem:s31+$0xFFFFFF80]  }
0x6f: {  	s2 =	sadd.s32 $0x80, s2;
	v12 =	vld [tilespmem:s31+$0x0]  }
0x70: {  	p1 =	slt.u32 s2, $0x1300;
	v13 =	vld [tilespmem:s31+$0xFFFFFF90]  }
0x71: {  	v14 =	vld [tilespmem:s31+$0x10]  }
0x72: {  	v15 =	vld [tilespmem:s31+$0xFFFFFFA0]  }
0x73: {  	v16 =	vld [tilespmem:s31+$0x20]  }
0x74: {  	vm0 =	vgt.s32 v11, v12;
	v17 =	vld [tilespmem:s31+$0xFFFFFFB0]  }
0x75: {  	v18 =	vsel vm0, v11, v12;
	v19 =	vld [tilespmem:s31+$0x30]  }
0x76: {  	vm0 =	vgt.s32 v2, v18;
	vm1 =	vgt.s32 v13, v14;
	v20 =	vld [tilespmem:s31+$0xFFFFFFC0]  }
0x77: {  	v2 =	vsel vm0, v2, v18;
	v18 =	vsel vm1, v13, v14;
	v21 =	vld [tilespmem:s31+$0x40]  }
0x78: {  	vm0 =	vgt.s32 v2, v18;
	vm1 =	vgt.s32 v15, v16;
	v22 =	vld [tilespmem:s31+$0xFFFFFFD0]  }
0x79: {  	v2 =	vsel vm0, v2, v18;
	v18 =	vsel vm1, v15, v16;
	v23 =	vld [tilespmem:s31+$0x50]  }
0x7a: {  	vm0 =	vgt.s32 v2, v18;
	vm1 =	vgt.s32 v17, v19;
	v24 =	vld [tilespmem:s31+$0xFFFFFFE0]  }
0x7b: {  	v2 =	vsel vm0, v2, v18;
	v18 =	vsel vm1, v17, v19;
	v25 =	vld [tilespmem:s31+$0x60]  }
0x7c: {  	vm0 =	vgt.s32 v2, v18;
	vm1 =	vgt.s32 v20, v21;
	v26 =	vld [tilespmem:s31+$0xFFFFFFF0]  }
0x7d: {  	v27 =	vsub.f32 $0.0e+00, v3;
	v2 =	vsel vm0, v2, v18;
	v18 =	vsel vm1, v20, v21;
	v28 =	vld [tilespmem:s31+$0x70]  }
0x7e: {  	[tilespmem:v12+s4+$0x0] =	vst.idx.add.f32.msk $0xffff, v3;
	vm0 =	vgt.s32 v2, v18;
	vm1 =	vgt.s32 v22, v23  }
0x7f: {  	v3 =	vsub.f32 $0.0e+00, v4;
	[tilespmem:v11+s4+$0x0] =	vst.idx.add.f32.msk $0xffff, v27;
	v2 =	vsel vm0, v2, v18;
	v11 =	vsel vm1, v22, v23  }
0x80: {  	[tilespmem:v14+s4+$0x0] =	vst.idx.add.f32.msk $0xffff, v4;
	vm0 =	vgt.s32 v2, v11;
	vm1 =	vgt.s32 v24, v25  }
0x81: {  	[tilespmem:v13+s4+$0x0] =	vst.idx.add.f32.msk $0xffff, v3;
	v3 =	vsub.f32 $0.0e+00, v5;
	v2 =	vsel vm0, v2, v11;
	v4 =	vsel vm1, v24, v25  }
0x82: {  	[tilespmem:v16+s4+$0x0] =	vst.idx.add.f32.msk $0xffff, v5;
	vm0 =	vgt.s32 v2, v4;
	vm1 =	vgt.s32 v26, v28  }
0x83: {  	[tilespmem:v15+s4+$0x0] =	vst.idx.add.f32.msk $0xffff, v3;
	v3 =	vsub.f32 $0.0e+00, v6;
	v2 =	vsel vm0, v2, v4;
	v4 =	vsel vm1, v26, v28  }
0x84: {  	[tilespmem:v19+s4+$0x0] =	vst.idx.add.f32.msk $0xffff, v6;
	vm0 =	vgt.s32 v2, v4  }
0x85: {  	[tilespmem:v17+s4+$0x0] =	vst.idx.add.f32.msk $0xffff, v3;
	v3 =	vsub.f32 $0.0e+00, v7;
	v2 =	vsel vm0, v2, v4  }
0x86: {  	[tilespmem:v21+s4+$0x0] =	vst.idx.add.f32.msk $0xffff, v7  }
0x87: {  	[tilespmem:v20+s4+$0x0] =	vst.idx.add.f32.msk $0xffff, v3;
	v3 =	vsub.f32 $0.0e+00, v8  }
0x88: {  	[tilespmem:v23+s4+$0x0] =	vst.idx.add.f32.msk $0xffff, v8  }
.Ltmp3:
0x89: {  	[tilespmem:v22+s4+$0x0] =	vst.idx.add.f32.msk $0xffff, v3;
	v3 =	vsub.f32 $0.0e+00, v9;
	(pc) =	sbr.rel @p1 .LBB2_5-.Ltmp3, $4  }
0x8a: {  	[tilespmem:v25+s4+$0x0] =	vst.idx.add.f32.msk $0xffff, v9  }
0x8b: {  	[tilespmem:v24+s4+$0x0] =	vst.idx.add.f32.msk $0xffff, v3;
	v3 =	vsub.f32 $0.0e+00, v10  }
0x8c: {  	[tilespmem:v28+s4+$0x0] =	vst.idx.add.f32.msk $0xffff, v10  }
0x8d: {  	s0 =	sadd.s32 $0x80, s0;
	[tilespmem:v26+s4+$0x0] =	vst.idx.add.f32.msk $0xffff, v3  }
0x8e: {  	p1 =	seq.s32 s30, $0x13  }
0x8f: {  	s0 =	smul.u32 @!p1 $0x2700, s30;
	_ =	sdelay $0x1  }
0x90: {  	s0 =	sadd.s32 @!p1 s0, s9  }
0x91: {  	s31 =	simm.s32 @!p1 $0x0;
	s2 =	sshrl.u32 @!p1 s0, $0x2  }
0x92: {  	[tilespmem:$0x1FD00] =	vst v2;
	s25 =	simm.s32 @!p1 $0x18800;
	s0 =	sshrl.u32 @!p1 s0, $0x3;
	s2 =	sadd.s32 @!p1 s1, s2  }
0x93: {  	[tilespmem:s25], [sflag:$0x1] =	stream.linear.gather @!p1 [hbm4b:s2+s31], $0x2700, $0x38;
	[tilespmem:$0x1FD80] =	vst v63  }
0x94: {  	s0 =	sadd.s32 @!p1 s3, s0;
	s2 =	simm.s32 @!p1 $0x1AF00  }
0x95: {  	[tilespmem:s2], [sflag:$0x1] =	stream.linear.gather @!p1 [hbm4b:s0+s31], $0x1380, $0x38;
	[tilespmem:$0x1FD80] =	vst v63  }
0x96: {  	_ =	swait.ge [sflag:s23], $0x2700  }
0x97: {  	[sflag:s23] =	ssyncset.done $0x0  }
0x98: {  	[sflag:s23] =	ssyncadd.s32 $0xFFFFD900  }
0x99: {  	_ =	swait.ge [sflag:s23], $0x1380  }
0x9a: {  	[sflag:s23] =	ssyncset.done $0x0  }
0x9b: {  	[sflag:s23] =	ssyncadd.s32 $0xFFFFEC80  }
0x9c: {  	s25 =	simm.s32 $0x1E9C0;
	v2 =	vld [tilespmem:$0x1FD00]  }
0x9d: {  	v3 =	vld [tilespmem:s25+$0xFFFFFFC0]  }
0x9e: {  	v4 =	vld [tilespmem:s25+$0xFFFFFFD0]  }
0x9f: {  	v5 =	vld [tilespmem:s25+$0xFFFFFFE0]  }
0xa0: {  	v6 =	vld [tilespmem:s25+$0xFFFFFFF0]  }
0xa1: {  	v7 =	vld [tilespmem:s25+$0x0]  }
0xa2: {  	v8 =	vld [tilespmem:s25+$0x10]  }
0xa3: {  	v9 =	vld [tilespmem:s25+$0x20]  }
0xa4: {  	s31 =	simm.s32 $0x1C300;
	v10 =	vld [tilespmem:s25+$0x30]  }
0xa5: {  	v11 =	vld [tilespmem:s31+$0xFFFFFF80]  }
0xa6: {  	v12 =	vld [tilespmem:s31+$0x0]  }
0xa7: {  	v13 =	vld [tilespmem:s31+$0xFFFFFF90]  }
0xa8: {  	v14 =	vld [tilespmem:s31+$0x10]  }
0xa9: {  	v15 =	vld [tilespmem:s31+$0xFFFFFFA0]  }
0xaa: {  	v16 =	vld [tilespmem:s31+$0x20]  }
0xab: {  	v17 =	vld [tilespmem:s31+$0xFFFFFFB0]  }
0xac: {  	v18 =	vld [tilespmem:s31+$0x30]  }
0xad: {  	v19 =	vld [tilespmem:s31+$0xFFFFFFC0]  }
0xae: {  	v20 =	vld [tilespmem:s31+$0x40]  }
0xaf: {  	v21 =	vld [tilespmem:s31+$0xFFFFFFD0]  }
0xb0: {  	v22 =	vld [tilespmem:s31+$0x50]  }
0xb1: {  	v23 =	vld [tilespmem:s31+$0xFFFFFFE0]  }
0xb2: {  	v24 =	vld [tilespmem:s31+$0x60]  }
0xb3: {  	v25 =	vld [tilespmem:s31+$0xFFFFFFF0];
	vm0 =	vgt.s32 v11, v12  }
0xb4: {  	v26 =	vsel vm0, v11, v12;
	[tilespmem:v12+s4+$0x0] =	vst.idx.add.f32.msk $0xffff, v3  }
0xb5: {  	v27 =	vsub.f32 $0.0e+00, v3;
	vm1 =	vgt.s32 v13, v14;
	vm0 =	vgt.s32 v2, v26;
	v3 =	vld [tilespmem:s31+$0x70]  }
0xb6: {  	v50 =	vsel vm1, v13, v14;
	v2 =	vsel vm0, v2, v26;
	[tilespmem:v14+s4+$0x0] =	vst.idx.add.f32.msk $0xffff, v4  }
0xb7: {  	vm10 =	vgt.s32 v15, v16;
	[tilespmem:v16+s4+$0x0] =	vst.idx.add.f32.msk $0xffff, v5;
	vm0 =	vgt.s32 v2, v50  }
0xb8: {  	v52 =	vsel vm10, v15, v16;
	[tilespmem:v18+s4+$0x0] =	vst.idx.add.f32.msk $0xffff, v6;
	v2 =	vsel vm0, v2, v50  }
0xb9: {  	vm11 =	vgt.s32 v17, v18;
	[tilespmem:v20+s4+$0x0] =	vst.idx.add.f32.msk $0xffff, v7;
	vm0 =	vgt.s32 v2, v52  }
0xba: {  	v54 =	vsel vm11, v17, v18;
	[tilespmem:v22+s4+$0x0] =	vst.idx.add.f32.msk $0xffff, v8;
	v2 =	vsel vm0, v2, v52  }
0xbb: {  	v51 =	vsub.f32 $0.0e+00, v4;
	vm12 =	vgt.s32 v19, v20;
	[tilespmem:v24+s4+$0x0] =	vst.idx.add.f32.msk $0xffff, v9;
	vm0 =	vgt.s32 v2, v54  }
0xbc: {  	v53 =	vsub.f32 $0.0e+00, v5;
	v56 =	vsel vm12, v19, v20;
	[tilespmem:v11+s4+$0x0] =	vst.idx.add.f32.msk $0xffff, v27;
	v2 =	vsel vm0, v2, v54  }
0xbd: {  	v55 =	vsub.f32 $0.0e+00, v6;
	vm13 =	vgt.s32 v21, v22;
	[tilespmem:v13+s4+$0x0] =	vst.idx.add.f32.msk $0xffff, v51;
	vm0 =	vgt.s32 v2, v56  }
0xbe: {  	v57 =	vsub.f32 $0.0e+00, v7;
	v58 =	vsel vm13, v21, v22;
	[tilespmem:v15+s4+$0x0] =	vst.idx.add.f32.msk $0xffff, v53;
	v2 =	vsel vm0, v2, v56  }
0xbf: {  	v59 =	vsub.f32 $0.0e+00, v8;
	vm14 =	vgt.s32 v23, v24;
	[tilespmem:v17+s4+$0x0] =	vst.idx.add.f32.msk $0xffff, v55;
	vm0 =	vgt.s32 v2, v58  }
0xc0: {  	v61 =	vsub.f32 $0.0e+00, v9;
	v60 =	vsel vm14, v23, v24;
	[tilespmem:v19+s4+$0x0] =	vst.idx.add.f32.msk $0xffff, v57;
	v2 =	vsel vm0, v2, v58  }
0xc1: {  	[tilespmem:v21+s4+$0x0] =	vst.idx.add.f32.msk $0xffff, v59;
	vm15 =	vgt.s32 v25, v3;
	vm0 =	vgt.s32 v2, v60  }
0xc2: {  	v63 =	vsub.f32 $0.0e+00, v10;
	[tilespmem:v23+s4+$0x0] =	vst.idx.add.f32.msk $0xffff, v61;
	v62 =	vsel vm15, v25, v3;
	v2 =	vsel vm0, v2, v60  }
0xc3: {  	[tilespmem:v3+s4+$0x0] =	vst.idx.add.f32.msk $0xffff, v10;
	vm0 =	vgt.s32 v2, v62  }
0xc4: {  	s2 =	simm.s32 $0x0;
	s0 =	simm.s32 $0x1EA40;
	[tilespmem:v25+s4+$0x0] =	vst.idx.add.f32.msk $0xffff, v63;
	v2 =	vsel vm0, v2, v62  }
.LBB2_7:
0xc5: {  	v3 =	vld [tilespmem:s0+$0xFFFFFFC0]  }
0xc6: {  	v4 =	vld [tilespmem:s0+$0xFFFFFFD0]  }
0xc7: {  	v5 =	vld [tilespmem:s0+$0xFFFFFFE0]  }
0xc8: {  	v6 =	vld [tilespmem:s0+$0xFFFFFFF0]  }
0xc9: {  	v7 =	vld [tilespmem:s0+$0x0]  }
0xca: {  	v8 =	vld [tilespmem:s0+$0x10]  }
0xcb: {  	v9 =	vld [tilespmem:s0+$0x20]  }
0xcc: {  	s31 =	sadd.s32 $0x100, s31;
	v10 =	vld [tilespmem:s0+$0x30]  }
0xcd: {  	v11 =	vld [tilespmem:s31+$0xFFFFFF80]  }
0xce: {  	s2 =	sadd.s32 $0x80, s2;
	v12 =	vld [tilespmem:s31+$0x0]  }
0xcf: {  	p2 =	slt.u32 s2, $0x1300;
	v13 =	vld [tilespmem:s31+$0xFFFFFF90]  }
0xd0: {  	v14 =	vld [tilespmem:s31+$0x10]  }
0xd1: {  	v15 =	vld [tilespmem:s31+$0xFFFFFFA0]  }
0xd2: {  	v16 =	vld [tilespmem:s31+$0x20]  }
0xd3: {  	vm0 =	vgt.s32 v11, v12;
	v17 =	vld [tilespmem:s31+$0xFFFFFFB0]  }
0xd4: {  	v18 =	vsel vm0, v11, v12;
	v19 =	vld [tilespmem:s31+$0x30]  }
0xd5: {  	vm0 =	vgt.s32 v2, v18;
	vm1 =	vgt.s32 v13, v14;
	v20 =	vld [tilespmem:s31+$0xFFFFFFC0]  }
0xd6: {  	v2 =	vsel vm0, v2, v18;
	v18 =	vsel vm1, v13, v14;
	v21 =	vld [tilespmem:s31+$0x40]  }
0xd7: {  	vm0 =	vgt.s32 v2, v18;
	vm1 =	vgt.s32 v15, v16;
	v22 =	vld [tilespmem:s31+$0xFFFFFFD0]  }
0xd8: {  	v2 =	vsel vm0, v2, v18;
	v18 =	vsel vm1, v15, v16;
	v23 =	vld [tilespmem:s31+$0x50]  }
0xd9: {  	vm0 =	vgt.s32 v2, v18;
	vm1 =	vgt.s32 v17, v19;
	v24 =	vld [tilespmem:s31+$0xFFFFFFE0]  }
0xda: {  	v2 =	vsel vm0, v2, v18;
	v18 =	vsel vm1, v17, v19;
	v25 =	vld [tilespmem:s31+$0x60]  }
0xdb: {  	vm0 =	vgt.s32 v2, v18;
	vm1 =	vgt.s32 v20, v21;
	v26 =	vld [tilespmem:s31+$0xFFFFFFF0]  }
0xdc: {  	v27 =	vsub.f32 $0.0e+00, v3;
	v2 =	vsel vm0, v2, v18;
	v18 =	vsel vm1, v20, v21;
	v28 =	vld [tilespmem:s31+$0x70]  }
0xdd: {  	[tilespmem:v12+s4+$0x0] =	vst.idx.add.f32.msk $0xffff, v3;
	vm0 =	vgt.s32 v2, v18;
	vm1 =	vgt.s32 v22, v23  }
0xde: {  	v3 =	vsub.f32 $0.0e+00, v4;
	[tilespmem:v11+s4+$0x0] =	vst.idx.add.f32.msk $0xffff, v27;
	v2 =	vsel vm0, v2, v18;
	v11 =	vsel vm1, v22, v23  }
0xdf: {  	[tilespmem:v14+s4+$0x0] =	vst.idx.add.f32.msk $0xffff, v4;
	vm0 =	vgt.s32 v2, v11;
	vm1 =	vgt.s32 v24, v25  }
0xe0: {  	[tilespmem:v13+s4+$0x0] =	vst.idx.add.f32.msk $0xffff, v3;
	v3 =	vsub.f32 $0.0e+00, v5;
	v2 =	vsel vm0, v2, v11;
	v4 =	vsel vm1, v24, v25  }
0xe1: {  	[tilespmem:v16+s4+$0x0] =	vst.idx.add.f32.msk $0xffff, v5;
	vm0 =	vgt.s32 v2, v4;
	vm1 =	vgt.s32 v26, v28  }
0xe2: {  	[tilespmem:v15+s4+$0x0] =	vst.idx.add.f32.msk $0xffff, v3;
	v3 =	vsub.f32 $0.0e+00, v6;
	v2 =	vsel vm0, v2, v4;
	v4 =	vsel vm1, v26, v28  }
0xe3: {  	[tilespmem:v19+s4+$0x0] =	vst.idx.add.f32.msk $0xffff, v6;
	vm0 =	vgt.s32 v2, v4  }
0xe4: {  	[tilespmem:v17+s4+$0x0] =	vst.idx.add.f32.msk $0xffff, v3;
	v3 =	vsub.f32 $0.0e+00, v7;
	v2 =	vsel vm0, v2, v4  }
0xe5: {  	[tilespmem:v21+s4+$0x0] =	vst.idx.add.f32.msk $0xffff, v7  }
0xe6: {  	[tilespmem:v20+s4+$0x0] =	vst.idx.add.f32.msk $0xffff, v3;
	v3 =	vsub.f32 $0.0e+00, v8  }
0xe7: {  	[tilespmem:v23+s4+$0x0] =	vst.idx.add.f32.msk $0xffff, v8  }
.Ltmp4:
0xe8: {  	[tilespmem:v22+s4+$0x0] =	vst.idx.add.f32.msk $0xffff, v3;
	v3 =	vsub.f32 $0.0e+00, v9;
	(pc) =	sbr.rel @p2 .LBB2_7-.Ltmp4, $4  }
0xe9: {  	[tilespmem:v25+s4+$0x0] =	vst.idx.add.f32.msk $0xffff, v9  }
0xea: {  	[tilespmem:v24+s4+$0x0] =	vst.idx.add.f32.msk $0xffff, v3;
	v3 =	vsub.f32 $0.0e+00, v10  }
0xeb: {  	[tilespmem:v28+s4+$0x0] =	vst.idx.add.f32.msk $0xffff, v10  }
0xec: {  	s0 =	sadd.s32 $0x80, s0;
	[tilespmem:v26+s4+$0x0] =	vst.idx.add.f32.msk $0xffff, v3  }
.Ltmp5:
0xed: {  	(pc) =	sbr.rel @p1 .LBB2_10-.Ltmp5, $2  }
0xee: {  	_ =	sdelay $0x2  }
0xef: {  	[tilespmem:$0x1FD00] =	vst v2  }
0xf0: {  	s0 =	smul.u32 $0x2700, s30;
	_ =	sdelay $0x1  }
0xf1: {  	s0 =	sadd.s32 s0, s10  }
.Ltmp6:
0xf2: {  	s2 =	sshrl.u32 s0, $0x2;
	(pc) =	sbr.rel .LBB2_4-.Ltmp6, $4  }
0xf3: {  	s0 =	sshrl.u32 s0, $0x3;
	s2 =	sadd.s32 s1, s2  }
0xf4: {  	[tilespmem:s20], [sflag:$0x2] =	stream.linear.gather [hbm4b:s2+s4], $0x2700, $0x38;
	[tilespmem:$0x1FD80] =	vst v63  }
0xf5: {  	s30 =	sadd.s32 $0x1, s30;
	s0 =	sadd.s32 s3, s0  }
0xf6: {  	[tilespmem:s21], [sflag:$0x2] =	stream.linear.gather [hbm4b:s0+s4], $0x1380, $0x38;
	[tilespmem:$0x1FD80] =	vst v63  }
.LBB2_10:
0xf7: {  	s0 =	simm.s32 $0x0  }
0xf8: {  	[tilespmem:s18], [sflag:$0x3] =	stream.linear.gather [hbm4b:s11+s0], $0x200, $0x38;
	[tilespmem:$0x1FD80] =	vst v63  }
0xf9: {  	_ =	swait.ge [sflag:s24], $0x200  }
0xfa: {  	[sflag:s24] =	ssyncset.done $0x0  }
0xfb: {  	[sflag:s24] =	ssyncadd.s32 $0xFFFFFE00  }
0xfc: {  	[tilespmem:s19], [sflag:$0x3] =	stream.linear.gather [hbm4b:s12+s0], $0x100, $0x38;
	[tilespmem:$0x1FD80] =	vst v63  }
0xfd: {  	_ =	swait.ge [sflag:s24], $0x100  }
0xfe: {  	[sflag:s24] =	ssyncset.done $0x0  }
0xff: {  	[sflag:s24] =	ssyncadd.s32 $0xFFFFFF00  }
0x100: {  	p1 =	por $0x1, $0x1;
	v2 =	vld [tilespmem:$0x1FD00]  }
.LBB2_11:
0x101: {  	v5 =	vld [tilespmem:s0+$0x1AF00]  }
0x102: {  	v7 =	vld [tilespmem:s0+$0x1AF10]  }
0x103: {  	v10 =	vld [tilespmem:s0+$0x1AF20]  }
0x104: {  	v13 =	vld [tilespmem:s0+$0x1AF30]  }
0x105: {  	v48 =	vld [tilespmem:s0+$0x1AF40]  }
0x106: {  	v53 =	vld [tilespmem:s0+$0x1AF50]  }
0x107: {  	s2 =	sshll.u32 s0, $0x1;
	v56 =	vld [tilespmem:s0+$0x1AF60]  }
0x108: {  	v60 =	vld [tilespmem:s0+$0x1AF70];
	s2 =	sand.u32 $0x3FFFFFFE, s2  }
0x109: {  	v3 =	vld [tilespmem:s2+$0x18880]  }
0x10a: {  	v4 =	vld [tilespmem:s2+$0x18800]  }
0x10b: {  	v6 =	vld [tilespmem:s2+$0x18890]  }
0x10c: {  	v45 =	vld [tilespmem:s2+$0x18810]  }
0x10d: {  	v46 =	vld [tilespmem:s2+$0x188A0]  }
0x10e: {  	v9 =	vld [tilespmem:s2+$0x18820]  }
0x10f: {  	v11 =	vld [tilespmem:s2+$0x188B0]  }
0x110: {  	v12 =	vld [tilespmem:s2+$0x18830]  }
0x111: {  	v14 =	vld [tilespmem:s2+$0x188C0]  }
0x112: {  	v50 =	vld [tilespmem:s2+$0x18840]  }
0x113: {  	v51 =	vld [tilespmem:s2+$0x18850]  }
0x114: {  	v52 =	vld [tilespmem:s2+$0x188D0]  }
0x115: {  	v54 =	vld [tilespmem:s2+$0x18860]  }
0x116: {  	v55 =	vld [tilespmem:s2+$0x188E0]  }
0x117: {  	v57 =	vld [tilespmem:s2+$0x188F0];
	vm0 =	vgt.s32 v4, v3  }
0x118: {  	[tilespmem:v3+s4+$0x0] =	vst.idx.add.f32.msk $0xffff, v5;
	v3 =	vsel vm0, v4, v3  }
0x119: {  	v59 =	vld [tilespmem:s2+$0x18870];
	vm1 =	vgt.s32 v45, v6;
	vm0 =	vgt.s32 v2, v3  }
0x11a: {  	[tilespmem:v6+s4+$0x0] =	vst.idx.add.f32.msk $0xffff, v7;
	v2 =	vsel vm0, v2, v3;
	v3 =	vsel vm1, v45, v6  }
0x11b: {  	vm10 =	vgt.s32 v9, v46;
	[tilespmem:v46+s4+$0x0] =	vst.idx.add.f32.msk $0xffff, v10;
	vm0 =	vgt.s32 v2, v3  }
0x11c: {  	[tilespmem:v11+s4+$0x0] =	vst.idx.add.f32.msk $0xffff, v13;
	v2 =	vsel vm0, v2, v3;
	v3 =	vsel vm10, v9, v46  }
0x11d: {  	vm11 =	vgt.s32 v12, v11;
	[tilespmem:v14+s4+$0x0] =	vst.idx.add.f32.msk $0xffff, v48;
	vm0 =	vgt.s32 v2, v3  }
0x11e: {  	[tilespmem:v52+s4+$0x0] =	vst.idx.add.f32.msk $0xffff, v53;
	v2 =	vsel vm0, v2, v3;
	v3 =	vsel vm11, v12, v11  }
0x11f: {  	v8 =	vsub.f32 $0.0e+00, v5;
	vm12 =	vgt.s32 v50, v14;
	[tilespmem:v55+s4+$0x0] =	vst.idx.add.f32.msk $0xffff, v56;
	vm0 =	vgt.s32 v2, v3  }
0x120: {  	v58 =	vsel vm12, v50, v14;
	[tilespmem:v57+s4+$0x0] =	vst.idx.add.f32.msk $0xffff, v60;
	v2 =	vsel vm0, v2, v3;
	v3 =	vsub.f32 $0.0e+00, v48  }
0x121: {  	v47 =	vsub.f32 $0.0e+00, v10;
	vm13 =	vgt.s32 v51, v52;
	[tilespmem:v4+s4+$0x0] =	vst.idx.add.f32.msk $0xffff, v8;
	vm0 =	vgt.s32 v2, v58  }
0x122: {  	v61 =	vsel vm13, v51, v52;
	[tilespmem:v50+s4+$0x0] =	vst.idx.add.f32.msk $0xffff, v3;
	v2 =	vsel vm0, v2, v58;
	v3 =	vsub.f32 $0.0e+00, v53  }
0x123: {  	p2 =	por p1, p1;
	v49 =	vsub.f32 $0.0e+00, v13;
	vm14 =	vgt.s32 v54, v55;
	[tilespmem:v9+s4+$0x0] =	vst.idx.add.f32.msk $0xffff, v47;
	vm0 =	vgt.s32 v2, v61  }
.Ltmp7:
0x124: {  	v62 =	vsel vm14, v54, v55;
	[tilespmem:v51+s4+$0x0] =	vst.idx.add.f32.msk $0xffff, v3;
	v2 =	vsel vm0, v2, v61;
	v3 =	vsub.f32 $0.0e+00, v56;
	(pc) =	sbr.rel @p2 .LBB2_11-.Ltmp7, $4  }
0x125: {  	vm15 =	vgt.s32 v59, v57;
	v7 =	vsub.f32 $0.0e+00, v7;
	[tilespmem:v12+s4+$0x0] =	vst.idx.add.f32.msk $0xffff, v49;
	vm0 =	vgt.s32 v2, v62  }
0x126: {  	v63 =	vsel vm15, v59, v57;
	v2 =	vsel vm0, v2, v62;
	[tilespmem:v54+s4+$0x0] =	vst.idx.add.f32.msk $0xffff, v3;
	v3 =	vsub.f32 $0.0e+00, v60  }
0x127: {  	[tilespmem:v45+s4+$0x0] =	vst.idx.add.f32.msk $0xffff, v7;
	vm0 =	vgt.s32 v2, v63  }
0x128: {  	s0 =	simm.s32 $0x80;
	p1 =	por $0x0, $0x0;
	[tilespmem:v59+s4+$0x0] =	vst.idx.add.f32.msk $0xffff, v3;
	v2 =	vsel vm0, v2, v63  }
.Ltmp8:
0x129: {  	(pc) =	sbr.rel @p0 .LBB2_14-.Ltmp8, $2  }
0x12a: {  	_ =	sdelay $0x2  }
0x12b: {  	[tilespmem:$0x1FD00] =	vst v2  }
0x12c: {  	[tilespmem:s18], [sflag:$0x3] =	stream.linear.gather [hbm4b:s13+s4], $0x100, $0x38;
	[tilespmem:$0x1FD80] =	vst v63  }
0x12d: {  	_ =	swait.ge [sflag:s24], $0x100  }
0x12e: {  	[sflag:s24] =	ssyncset.done $0x0  }
0x12f: {  	[sflag:s24] =	ssyncadd.s32 $0xFFFFFF00  }
0x130: {  	[tilespmem:s19], [sflag:$0x3] =	stream.linear.gather [hbm4b:s14+s4], $0x80, $0x38;
	[tilespmem:$0x1FD80] =	vst v63  }
0x131: {  	_ =	swait.ge [sflag:s24], $0x80  }
0x132: {  	[sflag:s24] =	ssyncset.done $0x0  }
0x133: {  	[sflag:s24] =	ssyncadd.s32 $0xFFFFFF80  }
0x134: {  	v2 =	vld [tilespmem:$0x18880]  }
0x135: {  	v3 =	vld [tilespmem:$0x18800]  }
0x136: {  	v4 =	vld [tilespmem:$0x1AF00]  }
0x137: {  	v5 =	vld [tilespmem:$0x18890]  }
0x138: {  	v6 =	vld [tilespmem:$0x1AF10]  }
0x139: {  	v7 =	vld [tilespmem:$0x1FD00]  }
0x13a: {  	v42 =	vld [tilespmem:$0x18810]  }
0x13b: {  	v43 =	vld [tilespmem:$0x188A0]  }
0x13c: {  	v9 =	vld [tilespmem:$0x18820]  }
0x13d: {  	v10 =	vld [tilespmem:$0x1AF20]  }
0x13e: {  	v11 =	vld [tilespmem:$0x188B0]  }
0x13f: {  	v12 =	vld [tilespmem:$0x18830]  }
0x140: {  	v13 =	vld [tilespmem:$0x1AF30]  }
0x141: {  	v14 =	vld [tilespmem:$0x188C0]  }
0x142: {  	v45 =	vld [tilespmem:$0x1AF40]  }
0x143: {  	v47 =	vld [tilespmem:$0x18840]  }
0x144: {  	v48 =	vld [tilespmem:$0x188D0]  }
0x145: {  	v49 =	vld [tilespmem:$0x1AF50]  }
0x146: {  	v51 =	vld [tilespmem:$0x18860]  }
0x147: {  	v52 =	vld [tilespmem:$0x188E0]  }
0x148: {  	v54 =	vld [tilespmem:$0x1AF60]  }
0x149: {  	v55 =	vld [tilespmem:$0x188F0]  }
0x14a: {  	v58 =	vld [tilespmem:$0x18870]  }
0x14b: {  	v59 =	vld [tilespmem:$0x1AF70];
	vm0 =	vgt.s32 v3, v2  }
0x14c: {  	[tilespmem:v2+s4+$0x0] =	vst.idx.add.f32.msk $0xffff, v4;
	v2 =	vsel vm0, v3, v2  }
0x14d: {  	v8 =	vsub.f32 $0.0e+00, v4;
	vm1 =	vgt.s32 v42, v5;
	[tilespmem:v5+s4+$0x0] =	vst.idx.add.f32.msk $0xffff, v6;
	vm0 =	vgt.s32 v7, v2  }
0x14e: {  	[tilespmem:v43+s4+$0x0] =	vst.idx.add.f32.msk $0xffff, v10;
	v4 =	vsel vm1, v42, v5;
	v2 =	vsel vm0, v7, v2  }
0x14f: {  	vm10 =	vgt.s32 v9, v43;
	[tilespmem:v3+s4+$0x0] =	vst.idx.add.f32.msk $0xffff, v8;
	vm0 =	vgt.s32 v2, v4  }
0x150: {  	v50 =	vsel vm10, v9, v43;
	v3 =	vld [tilespmem:$0x18850];
	v2 =	vsel vm0, v2, v4  }
0x151: {  	vm11 =	vgt.s32 v12, v11;
	[tilespmem:v11+s4+$0x0] =	vst.idx.add.f32.msk $0xffff, v13;
	vm0 =	vgt.s32 v2, v50  }
0x152: {  	v53 =	vsel vm11, v12, v11;
	[tilespmem:v14+s4+$0x0] =	vst.idx.add.f32.msk $0xffff, v45;
	v2 =	vsel vm0, v2, v50  }
0x153: {  	v44 =	vsub.f32 $0.0e+00, v10;
	vm12 =	vgt.s32 v47, v14;
	[tilespmem:v52+s4+$0x0] =	vst.idx.add.f32.msk $0xffff, v54;
	vm0 =	vgt.s32 v2, v53  }
0x154: {  	v46 =	vsub.f32 $0.0e+00, v13;
	v57 =	vsel vm12, v47, v14;
	[tilespmem:v55+s4+$0x0] =	vst.idx.add.f32.msk $0xffff, v59;
	v2 =	vsel vm0, v2, v53  }
0x155: {  	[tilespmem:v9+s4+$0x0] =	vst.idx.add.f32.msk $0xffff, v44;
	vm13 =	vgt.s32 v3, v48;
	vm0 =	vgt.s32 v2, v57  }
0x156: {  	v60 =	vsub.f32 $0.0e+00, v49;
	[tilespmem:v12+s4+$0x0] =	vst.idx.add.f32.msk $0xffff, v46;
	v61 =	vsel vm13, v3, v48;
	v2 =	vsel vm0, v2, v57  }
0x157: {  	v56 =	vsub.f32 $0.0e+00, v45;
	vm14 =	vgt.s32 v51, v52;
	[tilespmem:v48+s4+$0x0] =	vst.idx.add.f32.msk $0xffff, v49;
	vm0 =	vgt.s32 v2, v61  }
0x158: {  	v62 =	vsel vm14, v51, v52;
	[tilespmem:v3+s4+$0x0] =	vst.idx.add.f32.msk $0xffff, v60;
	v3 =	vsub.f32 $0.0e+00, v54;
	v2 =	vsel vm0, v2, v61  }
.Ltmp9:
0x159: {  	vm15 =	vgt.s32 v58, v55;
	v6 =	vsub.f32 $0.0e+00, v6;
	[tilespmem:v47+s4+$0x0] =	vst.idx.add.f32.msk $0xffff, v56;
	vm0 =	vgt.s32 v2, v62;
	(pc) =	sbr.rel .LBB2_14-.Ltmp9, $4  }
0x15a: {  	v63 =	vsel vm15, v58, v55;
	[tilespmem:v51+s4+$0x0] =	vst.idx.add.f32.msk $0xffff, v3;
	v3 =	vsub.f32 $0.0e+00, v59;
	v2 =	vsel vm0, v2, v62  }
0x15b: {  	[tilespmem:v42+s4+$0x0] =	vst.idx.add.f32.msk $0xffff, v6;
	vm0 =	vgt.s32 v2, v63  }
0x15c: {  	[tilespmem:v58+s4+$0x0] =	vst.idx.add.f32.msk $0xffff, v3;
	v2 =	vsel vm0, v2, v63  }
0x15d: {  	[tilespmem:$0x1FD00] =	vst v2  }
.LBB2_15:
0x15e: {  	_ =	sfence.sel $0x180000  }
0x15f: {  	[bflag:$0x0] =	sbarrier.arrive $0xFFFF  }
0x160: {  	_ =	strace $0x90000047  }
0x161: {  	s0 =	stileid.u32;
	[bflag:$0x2] =	sbarrier.arrive $0xFFFF  }
0x162: {  	p0 =	sne.s32 s0, $0x0;
	s0 =	rddreg [dreg:$0x3]  }
0x163: {  	s0 =	sadd.s32 @!p0 $0x100000, s0  }
0x164: {  	[sflag:s0] =	ssyncadd.tile.s32 @!p0 $0x1;
	_ =	shalt  }
.Lfunc_end2:
_tile_overlayer_lowered:
.L_overlay_start_2:
0x165: {  	(tag) =	ssettag $0x2  }
0x166: {  	s0 =	rddreg [dreg:$0x0];
	s2 =	stileid.u32  }
0x167: {  	s1 =	rddreg [dreg:$0x1];
	p0 =	sne.s32 s2, $0x0  }
0x168: {  	s3 =	rddreg [dreg:$0x2];
	[bflag:$0x3] =	sbarrier.arrive $0xFFFF;
	s2 =	simm.s32 @!p0 $0x1C03  }
0x169: {  	[timem:s3], [sflag:s2] =	dma.local @!p0 [hbm:s0], s1  }
0x16a: {  	s0 =	simm.s32 @!p0 $0x3  }
0x16b: {  	_ =	swait.ge @!p0 [sflag:s0], s1  }
0x16c: {  	s1 =	ssub.s32 @!p0 $0x0, s1;
	[sflag:s0] =	ssyncset.done @!p0 $0x0  }
0x16d: {  	[sflag:s0] =	ssyncadd.s32 @!p0 s1  }
0x16e: {  	[bflag:$0x3] =	sbarrier.arrive $0xFFFF  }
0x16f: {  	_ =	shalt  }

</sc_bundles>
